<compile_context>
chip_gen: v7x
topology: tpu7x:2x2x1
jax: 0.10.2.dev20260603
libtpu: 0.0.44.dev20260713+nightly
codegen_flags: <defaults>
</compile_context>

<pallas_src>
import functools

import jax
import jax.numpy as jnp
from jax import lax
from jax.experimental import pallas as pl
from jax.experimental.pallas import tpu as pltpu
from jax.experimental.pallas import tpu_sc as plsc

N_NODES = 10000
D = 128
E = 320000
EPS = 1e-5

NC = 2
NS = 16
NW = NC * NS

CH = 128
NCHUNK = E // CH
BASE_CHUNKS = NCHUNK // NW
EXTRA = NCHUNK % NW
MAXC = BASE_CHUNKS + 1

ROWS_T = 624
ROWS_LAST = N_NODES - 15 * ROWS_T

_mesh = plsc.VectorSubcoreMesh(core_axis_name="c", subcore_axis_name="s")


@functools.partial(
    pl.kernel,
    mesh=_mesh,
    out_type=jax.ShapeDtypeStruct((NC, N_NODES, D), jnp.float32),
    scratch_types=[
        pltpu.VMEM((CH,), jnp.int32),
        pltpu.VMEM((CH,), jnp.int32),
        pltpu.VMEM((CH,), jnp.int32),
        pltpu.VMEM((CH,), jnp.int32),
        pltpu.VMEM((CH,), jnp.int32),
        pltpu.VMEM((CH,), jnp.int32),
        pltpu.VMEM((CH,), jnp.int32),
        pltpu.VMEM((CH,), jnp.int32),
        pltpu.VMEM((CH, D), jnp.float32),
        pltpu.VMEM((CH, D), jnp.float32),
        pltpu.VMEM_SHARED((N_NODES, D), jnp.float32),
        pltpu.SemaphoreType.DMA,
        pltpu.SemaphoreType.DMA,
        pltpu.SemaphoreType.DMA,
        pltpu.SemaphoreType.DMA,
        pltpu.SemaphoreType.DMA,
        pltpu.SemaphoreType.DMA,
    ],
)
def _sc_agg(x_hbm, col_hbm, row_hbm, part_hbm,
            cid0, cid1, cid2, cid3, rid0, rid1, rid2, rid3,
            rows0_v, rows1_v, agg_sh,
            gsem0, gsem1, isem0, isem1, isem2, isem3):
    c = lax.axis_index("c")
    s = lax.axis_index("s")
    wid = s * NC + c

    cid = (cid0, cid1, cid2, cid3)
    rid = (rid0, rid1, rid2, rid3)
    isem = (isem0, isem1, isem2, isem3)
    rows = (rows0_v, rows1_v)
    gsem = (gsem0, gsem1)

    z16 = jnp.zeros((16,), jnp.float32)

    def zbody(i, carry):
        for j in range(D // 16):
            rows0_v[i, pl.ds(j * 16, 16)] = z16
        return carry

    lax.fori_loop(0, CH, zbody, 0)

    row0 = s * ROWS_T
    for k in range(4):
        pltpu.sync_copy(rows0_v, agg_sh.at[pl.ds(row0 + k * CH, CH)])
    pltpu.sync_copy(rows0_v.at[pl.ds(0, ROWS_T - 4 * CH)],
                    agg_sh.at[pl.ds(row0 + 4 * CH, ROWS_T - 4 * CH)])

    @pl.when(s == NS - 1)
    def _zero_tail():
        pltpu.sync_copy(rows0_v.at[pl.ds(0, ROWS_LAST - ROWS_T)],
                        agg_sh.at[pl.ds(15 * ROWS_T + ROWS_T,
                                        ROWS_LAST - ROWS_T)])

    plsc.subcore_barrier()

    my_chunks = BASE_CHUNKS + jnp.where(wid < EXTRA, 1, 0)
    start_chunk = wid * BASE_CHUNKS + jnp.minimum(wid, EXTRA)

    def _fire_idx(i, slot):
        base = (start_chunk + i) * CH
        pltpu.async_copy(col_hbm.at[pl.ds(base, CH)], cid[slot], isem[slot])
        pltpu.async_copy(row_hbm.at[pl.ds(base, CH)], rid[slot], isem[slot])

    def _wait_idx(slot):
        pltpu.make_async_copy(col_hbm.at[pl.ds(0, CH)], cid[slot],
                              isem[slot]).wait()
        pltpu.make_async_copy(row_hbm.at[pl.ds(0, CH)], rid[slot],
                              isem[slot]).wait()

    def _fire_gather(slot, rb):
        pltpu.async_copy(x_hbm.at[cid[slot]], rows[rb], gsem[rb])

    def _wait_gather(slot, rb):
        pltpu.make_async_copy(x_hbm.at[cid[slot]], rows[rb],
                              gsem[rb]).wait()

    for j in range(4):
        _fire_idx(j, j)
    for j in range(2):
        _wait_idx(j)
        _fire_gather(j, j)

    def ebody(t, carry):
        for b in range(4):
            i = t * 4 + b
            rb = b % 2

            @pl.when(i < my_chunks)
            def _step():
                _wait_gather(b, rb)
                pltpu.sync_copy(rows[rb], agg_sh.at[rid[b]], add=True)

                @pl.when(i + 2 < my_chunks)
                def _next_gather():
                    _wait_idx((b + 2) % 4)
                    _fire_gather((b + 2) % 4, rb)

                @pl.when(i + 4 < my_chunks)
                def _next_idx():
                    _fire_idx(i + 4, b)
        return carry

    lax.fori_loop(0, (MAXC + 3) // 4, ebody, 0)

    plsc.subcore_barrier()

    pltpu.sync_copy(agg_sh.at[pl.ds(row0, ROWS_T)],
                    part_hbm.at[c, pl.ds(row0, ROWS_T)])

    @pl.when(s == NS - 1)
    def _write_tail():
        pltpu.sync_copy(agg_sh.at[pl.ds(15 * ROWS_T + ROWS_T,
                                        ROWS_LAST - ROWS_T)],
                        part_hbm.at[c, pl.ds(15 * ROWS_T + ROWS_T,
                                             ROWS_LAST - ROWS_T)])


def _tc_body(part_ref, x_ref, wl_ref, wr_ref, b_ref, gamma_ref, beta_ref,
             out_ref):
    agg = part_ref[0] + part_ref[1]
    h = lax.dot_general(agg, wl_ref[...], (((1,), (1,)), ((), ())),
                        preferred_element_type=jnp.float32)
    h = h + lax.dot_general(x_ref[...], wr_ref[...], (((1,), (1,)), ((), ())),
                            preferred_element_type=jnp.float32)
    h = h + b_ref[...]
    h = jnp.maximum(h, 0.0)
    mean = jnp.mean(h, axis=0, keepdims=True)
    var = jnp.mean((h - mean) ** 2, axis=0, keepdims=True)
    out_ref[...] = (h - mean) * lax.rsqrt(var + EPS) * gamma_ref[...] \
        + beta_ref[...]


def kernel(x, edge_index, W_l, b_l, W_r, b_r, bn_gamma, bn_beta):
    ei = edge_index.astype(jnp.int32)
    row = ei[0]
    col = ei[1]
    part = _sc_agg(x, col, row)
    b = (b_l + b_r).reshape(1, D)
    out = pl.pallas_call(
        _tc_body,
        out_shape=jax.ShapeDtypeStruct((N_NODES, D), jnp.float32),
    )(part, x, W_l, W_r, b, bn_gamma.reshape(1, D), bn_beta.reshape(1, D))
    return out

# --- scband reference (transcript-rebuilt; emitter-appended) ---
"""Pipeline reference for scband-sagelayer-24120536334768 (READ-ONLY COPY).

The authoritative reference and input builder live on the scoring server;
editing this copy changes nothing except your own understanding.
"""

import jax, jax.numpy as jnp
import numpy as np

N_NODES = 10000
N_EDGES = 320000
D = 128
EPS = 1e-5

def glorot(key, shape):
    fan_in, fan_out = shape[1], shape[0]
    limit = jnp.sqrt(6.0 / (fan_in + fan_out))
    return jax.random.uniform(key, shape, minval=-limit, maxval=limit, dtype=jnp.float32)

def setup_inputs(seed: int = 0) -> dict:
    key = jax.random.key(seed)
    k_x, k_e, k_wl, k_wr, k_bl = jax.random.split(key, 5)
    x = jax.random.normal(k_x, (N_NODES, D), dtype=jnp.float32)
    edge_index = jax.random.randint(k_e, (2, N_EDGES), 0, N_NODES, dtype=jnp.int64)
    W_l = glorot(k_wl, (D, D))
    b_l = jax.random.normal(k_bl, (D,), dtype=jnp.float32) * 0.01
    W_r = glorot(k_wr, (D, D))
    b_r = jnp.zeros((D,), dtype=jnp.float32)
    bn_gamma = jnp.ones((D,), dtype=jnp.float32)
    bn_beta = jnp.zeros((D,), dtype=jnp.float32)
    return {"x": x, "edge_index": edge_index, "W_l": W_l, "b_l": b_l, "W_r": W_r, "b_r": b_r, "bn_gamma": bn_gamma, "bn_beta": bn_beta}

def reference(x, edge_index, W_l, b_l, W_r, b_r, bn_gamma, bn_beta):
    row = edge_index[0]
    col = edge_index[1]
    # gather neighbor features
    x_j = jnp.take(x, col, axis=0)
    # scatter_add over destination nodes
    agg = jax.ops.segment_sum(x_j, row, num_segments=N_NODES)
    # two linear branches
    out = agg @ W_l.T + b_l + x @ W_r.T + b_r
    # relu then BatchNorm1d (training mode: batch statistics)
    h = jax.nn.relu(out)
    mean = jnp.mean(h, axis=0)
    var = jnp.var(h, axis=0)
    out = (h - mean) / jnp.sqrt(var + EPS) * bn_gamma + bn_beta
    return out

if __name__ == "__main__":
    import jax
    _d = setup_inputs()
    print(jax.jit(kernel)(*tuple(_d.values())))

</pallas_src>

<mosaic_0001>
#map = affine_map<(d0, d1) -> (0, 0)>
#map1 = affine_map<(d0, d1) -> (0)>
#map2 = affine_map<(d0, d1) -> (0, 0, 0)>
module attributes {stable_mosaic.version = 14 : i64} {
  func.func @_sc_agg(%arg0: i32, %arg1: i32, %arg2: memref<10000x128xf32, #tpu.memory_space<hbm>>, %arg3: memref<320000xi32, #tpu.memory_space<hbm>>, %arg4: memref<320000xi32, #tpu.memory_space<hbm>>, %arg5: memref<2x10000x128xf32, #tpu.memory_space<hbm>>, %arg6: memref<128xi32, #tpu.memory_space<vmem>>, %arg7: memref<128xi32, #tpu.memory_space<vmem>>, %arg8: memref<128xi32, #tpu.memory_space<vmem>>, %arg9: memref<128xi32, #tpu.memory_space<vmem>>, %arg10: memref<128xi32, #tpu.memory_space<vmem>>, %arg11: memref<128xi32, #tpu.memory_space<vmem>>, %arg12: memref<128xi32, #tpu.memory_space<vmem>>, %arg13: memref<128xi32, #tpu.memory_space<vmem>>, %arg14: memref<128x128xf32, #tpu.memory_space<vmem>>, %arg15: memref<128x128xf32, #tpu.memory_space<vmem>>, %arg16: memref<10000x128xf32, #tpu.memory_space<vmem_shared>>, %arg17: memref<!tpu.dma_semaphore, #tpu.memory_space<semaphore_mem>>, %arg18: memref<!tpu.dma_semaphore, #tpu.memory_space<semaphore_mem>>, %arg19: memref<!tpu.dma_semaphore, #tpu.memory_space<semaphore_mem>>, %arg20: memref<!tpu.dma_semaphore, #tpu.memory_space<semaphore_mem>>, %arg21: memref<!tpu.dma_semaphore, #tpu.memory_space<semaphore_mem>>, %arg22: memref<!tpu.dma_semaphore, #tpu.memory_space<semaphore_mem>>) attributes {dimension_semantics = [#tpu.dimension_semantics<core_parallel>, #tpu.dimension_semantics<subcore_parallel>], iteration_bounds = array<i64: 2, 16>, scalar_prefetch = 0 : i64, scratch_operands = 17 : i64, tpu.core_type = #tpu.core_type<sc_vector_subcore>, window_params = [{transform_indices = #map}, {transform_indices = #map1}, {transform_indices = #map1}, {transform_indices = #map2}]} {
    %mul3A = arith.constant 2 : i32
    %mul3A_0 = arith.muli %arg1, %mul3A : i32
    %add3A = arith.addi %mul3A_0, %arg0 : i32
    %broadcast_in_dim3A = arith.constant 0.000000e+00 : f32
    %broadcast_in_dim3A_1 = vector.broadcast %broadcast_in_dim3A : f32 to vector<16xf32>
    %scan3A = arith.constant 0 : i32
    %scan3A_2 = arith.constant 0 : i32
    %scan3A_3 = arith.constant 128 : i32
    %scan3A_4 = arith.addi %scan3A_2, %scan3A_3 : i32
    %scan3A_5 = arith.constant 1 : i32
    scf.for %scan3A_93 = %scan3A_2 to %scan3A_4 step %scan3A_5  : i32 {
      %swap3A = arith.index_cast %scan3A_93 : i32 to index
      %swap3A_94 = arith.constant 0 : index
      %swap3A_95 = tpu.vector_load %arg14[%swap3A, %swap3A_94] {strides = array<i32>} : memref<128x128xf32, #tpu.memory_space<vmem>>, vector<1x16xf32>,
      %swap3A_96 = vector.shape_cast %swap3A_95 : vector<1x16xf32> to vector<16xf32>
      %swap3A_97 = vector.shape_cast %broadcast_in_dim3A_1 : vector<16xf32> to vector<1x16xf32>
      tpu.vector_store %arg14[%swap3A, %swap3A_94], %swap3A_97 {strides = array<i32>} : memref<128x128xf32, #tpu.memory_space<vmem>>, vector<1x16xf32>,
      %swap3A_98 = arith.index_cast %scan3A_93 : i32 to index
      %swap3A_99 = arith.constant 16 : index
      %swap3A_100 = tpu.vector_load %arg14[%swap3A_98, %swap3A_99] {strides = array<i32>} : memref<128x128xf32, #tpu.memory_space<vmem>>, vector<1x16xf32>,
      %swap3A_101 = vector.shape_cast %swap3A_100 : vector<1x16xf32> to vector<16xf32>
      %swap3A_102 = vector.shape_cast %broadcast_in_dim3A_1 : vector<16xf32> to vector<1x16xf32>
      tpu.vector_store %arg14[%swap3A_98, %swap3A_99], %swap3A_102 {strides = array<i32>} : memref<128x128xf32, #tpu.memory_space<vmem>>, vector<1x16xf32>,
      %swap3A_103 = arith.index_cast %scan3A_93 : i32 to index
      %swap3A_104 = arith.constant 32 : index
      %swap3A_105 = tpu.vector_load %arg14[%swap3A_103, %swap3A_104] {strides = array<i32>} : memref<128x128xf32, #tpu.memory_space<vmem>>, vector<1x16xf32>,
      %swap3A_106 = vector.shape_cast %swap3A_105 : vector<1x16xf32> to vector<16xf32>
      %swap3A_107 = vector.shape_cast %broadcast_in_dim3A_1 : vector<16xf32> to vector<1x16xf32>
      tpu.vector_store %arg14[%swap3A_103, %swap3A_104], %swap3A_107 {strides = array<i32>} : memref<128x128xf32, #tpu.memory_space<vmem>>, vector<1x16xf32>,
      %swap3A_108 = arith.index_cast %scan3A_93 : i32 to index
      %swap3A_109 = arith.constant 48 : index
      %swap3A_110 = tpu.vector_load %arg14[%swap3A_108, %swap3A_109] {strides = array<i32>} : memref<128x128xf32, #tpu.memory_space<vmem>>, vector<1x16xf32>,
      %swap3A_111 = vector.shape_cast %swap3A_110 : vector<1x16xf32> to vector<16xf32>
      %swap3A_112 = vector.shape_cast %broadcast_in_dim3A_1 : vector<16xf32> to vector<1x16xf32>
      tpu.vector_store %arg14[%swap3A_108, %swap3A_109], %swap3A_112 {strides = array<i32>} : memref<128x128xf32, #tpu.memory_space<vmem>>, vector<1x16xf32>,
      %swap3A_113 = arith.index_cast %scan3A_93 : i32 to index
      %swap3A_114 = arith.constant 64 : index
      %swap3A_115 = tpu.vector_load %arg14[%swap3A_113, %swap3A_114] {strides = array<i32>} : memref<128x128xf32, #tpu.memory_space<vmem>>, vector<1x16xf32>,
      %swap3A_116 = vector.shape_cast %swap3A_115 : vector<1x16xf32> to vector<16xf32>
      %swap3A_117 = vector.shape_cast %broadcast_in_dim3A_1 : vector<16xf32> to vector<1x16xf32>
      tpu.vector_store %arg14[%swap3A_113, %swap3A_114], %swap3A_117 {strides = array<i32>} : memref<128x128xf32, #tpu.memory_space<vmem>>, vector<1x16xf32>,
      %swap3A_118 = arith.index_cast %scan3A_93 : i32 to index
      %swap3A_119 = arith.constant 80 : index
      %swap3A_120 = tpu.vector_load %arg14[%swap3A_118, %swap3A_119] {strides = array<i32>} : memref<128x128xf32, #tpu.memory_space<vmem>>, vector<1x16xf32>,
      %swap3A_121 = vector.shape_cast %swap3A_120 : vector<1x16xf32> to vector<16xf32>
      %swap3A_122 = vector.shape_cast %broadcast_in_dim3A_1 : vector<16xf32> to vector<1x16xf32>
      tpu.vector_store %arg14[%swap3A_118, %swap3A_119], %swap3A_122 {strides = array<i32>} : memref<128x128xf32, #tpu.memory_space<vmem>>, vector<1x16xf32>,
      %swap3A_123 = arith.index_cast %scan3A_93 : i32 to index
      %swap3A_124 = arith.constant 96 : index
      %swap3A_125 = tpu.vector_load %arg14[%swap3A_123, %swap3A_124] {strides = array<i32>} : memref<128x128xf32, #tpu.memory_space<vmem>>, vector<1x16xf32>,
      %swap3A_126 = vector.shape_cast %swap3A_125 : vector<1x16xf32> to vector<16xf32>
      %swap3A_127 = vector.shape_cast %broadcast_in_dim3A_1 : vector<16xf32> to vector<1x16xf32>
      tpu.vector_store %arg14[%swap3A_123, %swap3A_124], %swap3A_127 {strides = array<i32>} : memref<128x128xf32, #tpu.memory_space<vmem>>, vector<1x16xf32>,
      %swap3A_128 = arith.index_cast %scan3A_93 : i32 to index
      %swap3A_129 = arith.constant 112 : index
      %swap3A_130 = tpu.vector_load %arg14[%swap3A_128, %swap3A_129] {strides = array<i32>} : memref<128x128xf32, #tpu.memory_space<vmem>>, vector<1x16xf32>,
      %swap3A_131 = vector.shape_cast %swap3A_130 : vector<1x16xf32> to vector<16xf32>
      %swap3A_132 = vector.shape_cast %broadcast_in_dim3A_1 : vector<16xf32> to vector<1x16xf32>
      tpu.vector_store %arg14[%swap3A_128, %swap3A_129], %swap3A_132 {strides = array<i32>} : memref<128x128xf32, #tpu.memory_space<vmem>>, vector<1x16xf32>,
    }
    %scan3A_6 = arith.constant 128 : i32
    %mul3A_7 = arith.constant 624 : i32
    %mul3A_8 = arith.muli %arg1, %mul3A_7 : i32
    %add3A_9 = arith.constant 0 : i32
    %add3A_10 = arith.addi %mul3A_8, %add3A_9 : i32
    "tpu.region"() ({
      %run_scoped3A = tpu.sem_alloc : memref<!tpu.dma_semaphore, #tpu.memory_space<semaphore_mem>>
      %dma_start3A_93 = arith.constant 0 : i32
      %dma_start3A_94 = tpu.memref_slice %arg16[%add3A_10, %dma_start3A_93] : memref<10000x128xf32, #tpu.memory_space<vmem_shared>> -> memref<128x128xf32, #tpu.memory_space<vmem_shared>>
      %dma_start3A_95 = arith.constant 0 : i32
      %dma_start3A_96 = tpu.memref_slice %arg16[%add3A_10, %dma_start3A_95] : memref<10000x128xf32, #tpu.memory_space<vmem_shared>> -> memref<128x128xf32, #tpu.memory_space<vmem_shared>>
      tpu.enqueue_dma source(%arg14 : memref<128x128xf32, #tpu.memory_space<vmem>>) target(%dma_start3A_96 : memref<128x128xf32, #tpu.memory_space<vmem_shared>>) target_semaphore(%run_scoped3A : memref<!tpu.dma_semaphore, #tpu.memory_space<semaphore_mem>>)
      %dma_wait3A_97 = arith.constant 0 : i32
      %dma_wait3A_98 = tpu.memref_slice %arg16[%add3A_10, %dma_wait3A_97] : memref<10000x128xf32, #tpu.memory_space<vmem_shared>> -> memref<128x128xf32, #tpu.memory_space<vmem_shared>>
      %dma_wait3A_99 = arith.constant 0 : i32
      %dma_wait3A_100 = tpu.memref_slice %arg16[%add3A_10, %dma_wait3A_99] : memref<10000x128xf32, #tpu.memory_space<vmem_shared>> -> memref<128x128xf32, #tpu.memory_space<vmem_shared>>
      tpu.wait_dma2 semaphore(%run_scoped3A : memref<!tpu.dma_semaphore, #tpu.memory_space<semaphore_mem>>) src(%arg14 : memref<128x128xf32, #tpu.memory_space<vmem>>) dst(%dma_wait3A_100 : memref<128x128xf32, #tpu.memory_space<vmem_shared>>)
      tpu.yield
    }) : () -> ()
    %add3A_11 = arith.constant 128 : i32
    %add3A_12 = arith.addi %mul3A_8, %add3A_11 : i32
    "tpu.region"() ({
      %run_scoped3A = tpu.sem_alloc : memref<!tpu.dma_semaphore, #tpu.memory_space<semaphore_mem>>
      %dma_start3A_93 = arith.constant 0 : i32
      %dma_start3A_94 = tpu.memref_slice %arg16[%add3A_12, %dma_start3A_93] : memref<10000x128xf32, #tpu.memory_space<vmem_shared>> -> memref<128x128xf32, #tpu.memory_space<vmem_shared>>
      %dma_start3A_95 = arith.constant 0 : i32
      %dma_start3A_96 = tpu.memref_slice %arg16[%add3A_12, %dma_start3A_95] : memref<10000x128xf32, #tpu.memory_space<vmem_shared>> -> memref<128x128xf32, #tpu.memory_space<vmem_shared>>
      tpu.enqueue_dma source(%arg14 : memref<128x128xf32, #tpu.memory_space<vmem>>) target(%dma_start3A_96 : memref<128x128xf32, #tpu.memory_space<vmem_shared>>) target_semaphore(%run_scoped3A : memref<!tpu.dma_semaphore, #tpu.memory_space<semaphore_mem>>)
      %dma_wait3A_97 = arith.constant 0 : i32
      %dma_wait3A_98 = tpu.memref_slice %arg16[%add3A_12, %dma_wait3A_97] : memref<10000x128xf32, #tpu.memory_space<vmem_shared>> -> memref<128x128xf32, #tpu.memory_space<vmem_shared>>
      %dma_wait3A_99 = arith.constant 0 : i32
      %dma_wait3A_100 = tpu.memref_slice %arg16[%add3A_12, %dma_wait3A_99] : memref<10000x128xf32, #tpu.memory_space<vmem_shared>> -> memref<128x128xf32, #tpu.memory_space<vmem_shared>>
      tpu.wait_dma2 semaphore(%run_scoped3A : memref<!tpu.dma_semaphore, #tpu.memory_space<semaphore_mem>>) src(%arg14 : memref<128x128xf32, #tpu.memory_space<vmem>>) dst(%dma_wait3A_100 : memref<128x128xf32, #tpu.memory_space<vmem_shared>>)
      tpu.yield
    }) : () -> ()
    %add3A_13 = arith.constant 256 : i32
    %add3A_14 = arith.addi %mul3A_8, %add3A_13 : i32
    "tpu.region"() ({
      %run_scoped3A = tpu.sem_alloc : memref<!tpu.dma_semaphore, #tpu.memory_space<semaphore_mem>>
      %dma_start3A_93 = arith.constant 0 : i32
      %dma_start3A_94 = tpu.memref_slice %arg16[%add3A_14, %dma_start3A_93] : memref<10000x128xf32, #tpu.memory_space<vmem_shared>> -> memref<128x128xf32, #tpu.memory_space<vmem_shared>>
      %dma_start3A_95 = arith.constant 0 : i32
      %dma_start3A_96 = tpu.memref_slice %arg16[%add3A_14, %dma_start3A_95] : memref<10000x128xf32, #tpu.memory_space<vmem_shared>> -> memref<128x128xf32, #tpu.memory_space<vmem_shared>>
      tpu.enqueue_dma source(%arg14 : memref<128x128xf32, #tpu.memory_space<vmem>>) target(%dma_start3A_96 : memref<128x128xf32, #tpu.memory_space<vmem_shared>>) target_semaphore(%run_scoped3A : memref<!tpu.dma_semaphore, #tpu.memory_space<semaphore_mem>>)
      %dma_wait3A_97 = arith.constant 0 : i32
      %dma_wait3A_98 = tpu.memref_slice %arg16[%add3A_14, %dma_wait3A_97] : memref<10000x128xf32, #tpu.memory_space<vmem_shared>> -> memref<128x128xf32, #tpu.memory_space<vmem_shared>>
      %dma_wait3A_99 = arith.constant 0 : i32
      %dma_wait3A_100 = tpu.memref_slice %arg16[%add3A_14, %dma_wait3A_99] : memref<10000x128xf32, #tpu.memory_space<vmem_shared>> -> memref<128x128xf32, #tpu.memory_space<vmem_shared>>
      tpu.wait_dma2 semaphore(%run_scoped3A : memref<!tpu.dma_semaphore, #tpu.memory_space<semaphore_mem>>) src(%arg14 : memref<128x128xf32, #tpu.memory_space<vmem>>) dst(%dma_wait3A_100 : memref<128x128xf32, #tpu.memory_space<vmem_shared>>)
      tpu.yield
    }) : () -> ()
    %add3A_15 = arith.constant 384 : i32
    %add3A_16 = arith.addi %mul3A_8, %add3A_15 : i32
    "tpu.region"() ({
      %run_scoped3A = tpu.sem_alloc : memref<!tpu.dma_semaphore, #tpu.memory_space<semaphore_mem>>
      %dma_start3A_93 = arith.constant 0 : i32
      %dma_start3A_94 = tpu.memref_slice %arg16[%add3A_16, %dma_start3A_93] : memref<10000x128xf32, #tpu.memory_space<vmem_shared>> -> memref<128x128xf32, #tpu.memory_space<vmem_shared>>
      %dma_start3A_95 = arith.constant 0 : i32
      %dma_start3A_96 = tpu.memref_slice %arg16[%add3A_16, %dma_start3A_95] : memref<10000x128xf32, #tpu.memory_space<vmem_shared>> -> memref<128x128xf32, #tpu.memory_space<vmem_shared>>
      tpu.enqueue_dma source(%arg14 : memref<128x128xf32, #tpu.memory_space<vmem>>) target(%dma_start3A_96 : memref<128x128xf32, #tpu.memory_space<vmem_shared>>) target_semaphore(%run_scoped3A : memref<!tpu.dma_semaphore, #tpu.memory_space<semaphore_mem>>)
      %dma_wait3A_97 = arith.constant 0 : i32
      %dma_wait3A_98 = tpu.memref_slice %arg16[%add3A_16, %dma_wait3A_97] : memref<10000x128xf32, #tpu.memory_space<vmem_shared>> -> memref<128x128xf32, #tpu.memory_space<vmem_shared>>
      %dma_wait3A_99 = arith.constant 0 : i32
      %dma_wait3A_100 = tpu.memref_slice %arg16[%add3A_16, %dma_wait3A_99] : memref<10000x128xf32, #tpu.memory_space<vmem_shared>> -> memref<128x128xf32, #tpu.memory_space<vmem_shared>>
      tpu.wait_dma2 semaphore(%run_scoped3A : memref<!tpu.dma_semaphore, #tpu.memory_space<semaphore_mem>>) src(%arg14 : memref<128x128xf32, #tpu.memory_space<vmem>>) dst(%dma_wait3A_100 : memref<128x128xf32, #tpu.memory_space<vmem_shared>>)
      tpu.yield
    }) : () -> ()
    %add3A_17 = arith.constant 512 : i32
    %add3A_18 = arith.addi %mul3A_8, %add3A_17 : i32
    "tpu.region"() ({
      %run_scoped3A = tpu.sem_alloc : memref<!tpu.dma_semaphore, #tpu.memory_space<semaphore_mem>>
      %dma_start3A_93 = arith.constant 0 : i32
      %dma_start3A_94 = arith.constant 0 : i32
      %dma_start3A_95 = tpu.memref_slice %arg14[%dma_start3A_93, %dma_start3A_94] : memref<128x128xf32, #tpu.memory_space<vmem>> -> memref<112x128xf32, #tpu.memory_space<vmem>>
      %dma_start3A_96 = arith.constant 0 : i32
      %dma_start3A_97 = tpu.memref_slice %arg16[%add3A_18, %dma_start3A_96] : memref<10000x128xf32, #tpu.memory_space<vmem_shared>> -> memref<112x128xf32, #tpu.memory_space<vmem_shared>>
      %dma_start3A_98 = arith.constant 0 : i32
      %dma_start3A_99 = tpu.memref_slice %arg16[%add3A_18, %dma_start3A_98] : memref<10000x128xf32, #tpu.memory_space<vmem_shared>> -> memref<112x128xf32, #tpu.memory_space<vmem_shared>>
      %dma_start3A_100 = arith.constant 0 : i32
      %dma_start3A_101 = arith.constant 0 : i32
      %dma_start3A_102 = tpu.memref_slice %arg14[%dma_start3A_100, %dma_start3A_101] : memref<128x128xf32, #tpu.memory_space<vmem>> -> memref<112x128xf32, #tpu.memory_space<vmem>>
      tpu.enqueue_dma source(%dma_start3A_102 : memref<112x128xf32, #tpu.memory_space<vmem>>) target(%dma_start3A_99 : memref<112x128xf32, #tpu.memory_space<vmem_shared>>) target_semaphore(%run_scoped3A : memref<!tpu.dma_semaphore, #tpu.memory_space<semaphore_mem>>)
      %dma_wait3A_103 = arith.constant 0 : i32
      %dma_wait3A_104 = arith.constant 0 : i32
      %dma_wait3A_105 = tpu.memref_slice %arg14[%dma_wait3A_103, %dma_wait3A_104] : memref<128x128xf32, #tpu.memory_space<vmem>> -> memref<112x128xf32, #tpu.memory_space<vmem>>
      %dma_wait3A_106 = arith.constant 0 : i32
      %dma_wait3A_107 = tpu.memref_slice %arg16[%add3A_18, %dma_wait3A_106] : memref<10000x128xf32, #tpu.memory_space<vmem_shared>> -> memref<112x128xf32, #tpu.memory_space<vmem_shared>>
      %dma_wait3A_108 = arith.constant 0 : i32
      %dma_wait3A_109 = tpu.memref_slice %arg16[%add3A_18, %dma_wait3A_108] : memref<10000x128xf32, #tpu.memory_space<vmem_shared>> -> memref<112x128xf32, #tpu.memory_space<vmem_shared>>
      %dma_wait3A_110 = arith.constant 0 : i32
      %dma_wait3A_111 = arith.constant 0 : i32
      %dma_wait3A_112 = tpu.memref_slice %arg14[%dma_wait3A_110, %dma_wait3A_111] : memref<128x128xf32, #tpu.memory_space<vmem>> -> memref<112x128xf32, #tpu.memory_space<vmem>>
      tpu.wait_dma2 semaphore(%run_scoped3A : memref<!tpu.dma_semaphore, #tpu.memory_space<semaphore_mem>>) src(%dma_wait3A_112 : memref<112x128xf32, #tpu.memory_space<vmem>>) dst(%dma_wait3A_109 : memref<112x128xf32, #tpu.memory_space<vmem_shared>>)
      tpu.yield
    }) : () -> ()
    %eq3A = arith.constant 15 : i32
    %eq3A_19 = arith.cmpi eq, %arg1, %eq3A : i32
    %convert_element_type3A = arith.extui %eq3A_19 : i1 to i32
    %cond3A = arith.constant 0 : i32
    %cond3A_20 = arith.cmpi ne, %convert_element_type3A, %cond3A : i32
    scf.if %cond3A_20 {
      "tpu.region"() ({
        %run_scoped3A = tpu.sem_alloc : memref<!tpu.dma_semaphore, #tpu.memory_space<semaphore_mem>>
        %dma_start3A_93 = arith.constant 0 : i32
        %dma_start3A_94 = arith.constant 0 : i32
        %dma_start3A_95 = tpu.memref_slice %arg14[%dma_start3A_93, %dma_start3A_94] : memref<128x128xf32, #tpu.memory_space<vmem>> -> memref<16x128xf32, #tpu.memory_space<vmem>>
        %dma_start3A_96 = arith.constant 9984 : i32
        %dma_start3A_97 = arith.constant 0 : i32
        %dma_start3A_98 = tpu.memref_slice %arg16[%dma_start3A_96, %dma_start3A_97] : memref<10000x128xf32, #tpu.memory_space<vmem_shared>> -> memref<16x128xf32, #tpu.memory_space<vmem_shared>>
        %dma_start3A_99 = arith.constant 9984 : i32
        %dma_start3A_100 = arith.constant 0 : i32
        %dma_start3A_101 = tpu.memref_slice %arg16[%dma_start3A_99, %dma_start3A_100] : memref<10000x128xf32, #tpu.memory_space<vmem_shared>> -> memref<16x128xf32, #tpu.memory_space<vmem_shared>>
        %dma_start3A_102 = arith.constant 0 : i32
        %dma_start3A_103 = arith.constant 0 : i32
        %dma_start3A_104 = tpu.memref_slice %arg14[%dma_start3A_102, %dma_start3A_103] : memref<128x128xf32, #tpu.memory_space<vmem>> -> memref<16x128xf32, #tpu.memory_space<vmem>>
        tpu.enqueue_dma source(%dma_start3A_104 : memref<16x128xf32, #tpu.memory_space<vmem>>) target(%dma_start3A_101 : memref<16x128xf32, #tpu.memory_space<vmem_shared>>) target_semaphore(%run_scoped3A : memref<!tpu.dma_semaphore, #tpu.memory_space<semaphore_mem>>)
        %dma_wait3A_105 = arith.constant 0 : i32
        %dma_wait3A_106 = arith.constant 0 : i32
        %dma_wait3A_107 = tpu.memref_slice %arg14[%dma_wait3A_105, %dma_wait3A_106] : memref<128x128xf32, #tpu.memory_space<vmem>> -> memref<16x128xf32, #tpu.memory_space<vmem>>
        %dma_wait3A_108 = arith.constant 9984 : i32
        %dma_wait3A_109 = arith.constant 0 : i32
        %dma_wait3A_110 = tpu.memref_slice %arg16[%dma_wait3A_108, %dma_wait3A_109] : memref<10000x128xf32, #tpu.memory_space<vmem_shared>> -> memref<16x128xf32, #tpu.memory_space<vmem_shared>>
        %dma_wait3A_111 = arith.constant 9984 : i32
        %dma_wait3A_112 = arith.constant 0 : i32
        %dma_wait3A_113 = tpu.memref_slice %arg16[%dma_wait3A_111, %dma_wait3A_112] : memref<10000x128xf32, #tpu.memory_space<vmem_shared>> -> memref<16x128xf32, #tpu.memory_space<vmem_shared>>
        %dma_wait3A_114 = arith.constant 0 : i32
        %dma_wait3A_115 = arith.constant 0 : i32
        %dma_wait3A_116 = tpu.memref_slice %arg14[%dma_wait3A_114, %dma_wait3A_115] : memref<128x128xf32, #tpu.memory_space<vmem>> -> memref<16x128xf32, #tpu.memory_space<vmem>>
        tpu.wait_dma2 semaphore(%run_scoped3A : memref<!tpu.dma_semaphore, #tpu.memory_space<semaphore_mem>>) src(%dma_wait3A_116 : memref<16x128xf32, #tpu.memory_space<vmem>>) dst(%dma_wait3A_113 : memref<16x128xf32, #tpu.memory_space<vmem_shared>>)
        tpu.yield
      }) : () -> ()
    } else {
    }
    %barrier3A = arith.constant 0 : index
    tpu.barrier barrier_id(%barrier3A)
    %lt3A = arith.constant 4 : i32
    %lt3A_21 = arith.cmpi slt, %add3A, %lt3A : i32
    %jit3A = arith.constant 1 : i32
    %jit3A_22 = arith.constant 0 : i32
    %select_n3A = arith.select %lt3A_21, %jit3A, %jit3A_22 : i32
    %add3A_23 = arith.constant 78 : i32
    %add3A_24 = arith.addi %add3A_23, %select_n3A : i32
    %mul3A_25 = arith.constant 78 : i32
    %mul3A_26 = arith.muli %add3A, %mul3A_25 : i32
    %min3A = arith.constant 4 : i32
    %min3A_27 = arith.minsi %add3A, %min3A : i32
    %add3A_28 = arith.addi %mul3A_26, %min3A_27 : i32
    %add3A_29 = arith.constant 0 : i32
    %add3A_30 = arith.addi %add3A_28, %add3A_29 : i32
    %mul3A_31 = arith.constant 128 : i32
    %mul3A_32 = arith.muli %add3A_30, %mul3A_31 : i32
    %dma_start3A = tpu.memref_slice %arg3[%mul3A_32] : memref<320000xi32, #tpu.memory_space<hbm>> -> memref<128xi32, #tpu.memory_space<hbm>>
    %dma_start3A_33 = tpu.memref_slice %arg3[%mul3A_32] : memref<320000xi32, #tpu.memory_space<hbm>> -> memref<128xi32, #tpu.memory_space<hbm>>
    tpu.enqueue_dma source(%dma_start3A_33 : memref<128xi32, #tpu.memory_space<hbm>>) target(%arg6 : memref<128xi32, #tpu.memory_space<vmem>>) target_semaphore(%arg19 : memref<!tpu.dma_semaphore, #tpu.memory_space<semaphore_mem>>)
    %dma_start3A_34 = tpu.memref_slice %arg4[%mul3A_32] : memref<320000xi32, #tpu.memory_space<hbm>> -> memref<128xi32, #tpu.memory_space<hbm>>
    %dma_start3A_35 = tpu.memref_slice %arg4[%mul3A_32] : memref<320000xi32, #tpu.memory_space<hbm>> -> memref<128xi32, #tpu.memory_space<hbm>>
    tpu.enqueue_dma source(%dma_start3A_35 : memref<128xi32, #tpu.memory_space<hbm>>) target(%arg10 : memref<128xi32, #tpu.memory_space<vmem>>) target_semaphore(%arg19 : memref<!tpu.dma_semaphore, #tpu.memory_space<semaphore_mem>>)
    %add3A_36 = arith.constant 1 : i32
    %add3A_37 = arith.addi %add3A_28, %add3A_36 : i32
    %mul3A_38 = arith.constant 128 : i32
    %mul3A_39 = arith.muli %add3A_37, %mul3A_38 : i32
    %dma_start3A_40 = tpu.memref_slice %arg3[%mul3A_39] : memref<320000xi32, #tpu.memory_space<hbm>> -> memref<128xi32, #tpu.memory_space<hbm>>
    %dma_start3A_41 = tpu.memref_slice %arg3[%mul3A_39] : memref<320000xi32, #tpu.memory_space<hbm>> -> memref<128xi32, #tpu.memory_space<hbm>>
    tpu.enqueue_dma source(%dma_start3A_41 : memref<128xi32, #tpu.memory_space<hbm>>) target(%arg7 : memref<128xi32, #tpu.memory_space<vmem>>) target_semaphore(%arg20 : memref<!tpu.dma_semaphore, #tpu.memory_space<semaphore_mem>>)
    %dma_start3A_42 = tpu.memref_slice %arg4[%mul3A_39] : memref<320000xi32, #tpu.memory_space<hbm>> -> memref<128xi32, #tpu.memory_space<hbm>>
    %dma_start3A_43 = tpu.memref_slice %arg4[%mul3A_39] : memref<320000xi32, #tpu.memory_space<hbm>> -> memref<128xi32, #tpu.memory_space<hbm>>
    tpu.enqueue_dma source(%dma_start3A_43 : memref<128xi32, #tpu.memory_space<hbm>>) target(%arg11 : memref<128xi32, #tpu.memory_space<vmem>>) target_semaphore(%arg20 : memref<!tpu.dma_semaphore, #tpu.memory_space<semaphore_mem>>)
    %add3A_44 = arith.constant 2 : i32
    %add3A_45 = arith.addi %add3A_28, %add3A_44 : i32
    %mul3A_46 = arith.constant 128 : i32
    %mul3A_47 = arith.muli %add3A_45, %mul3A_46 : i32
    %dma_start3A_48 = tpu.memref_slice %arg3[%mul3A_47] : memref<320000xi32, #tpu.memory_space<hbm>> -> memref<128xi32, #tpu.memory_space<hbm>>
    %dma_start3A_49 = tpu.memref_slice %arg3[%mul3A_47] : memref<320000xi32, #tpu.memory_space<hbm>> -> memref<128xi32, #tpu.memory_space<hbm>>
    tpu.enqueue_dma source(%dma_start3A_49 : memref<128xi32, #tpu.memory_space<hbm>>) target(%arg8 : memref<128xi32, #tpu.memory_space<vmem>>) target_semaphore(%arg21 : memref<!tpu.dma_semaphore, #tpu.memory_space<semaphore_mem>>)
    %dma_start3A_50 = tpu.memref_slice %arg4[%mul3A_47] : memref<320000xi32, #tpu.memory_space<hbm>> -> memref<128xi32, #tpu.memory_space<hbm>>
    %dma_start3A_51 = tpu.memref_slice %arg4[%mul3A_47] : memref<320000xi32, #tpu.memory_space<hbm>> -> memref<128xi32, #tpu.memory_space<hbm>>
    tpu.enqueue_dma source(%dma_start3A_51 : memref<128xi32, #tpu.memory_space<hbm>>) target(%arg12 : memref<128xi32, #tpu.memory_space<vmem>>) target_semaphore(%arg21 : memref<!tpu.dma_semaphore, #tpu.memory_space<semaphore_mem>>)
    %add3A_52 = arith.constant 3 : i32
    %add3A_53 = arith.addi %add3A_28, %add3A_52 : i32
    %mul3A_54 = arith.constant 128 : i32
    %mul3A_55 = arith.muli %add3A_53, %mul3A_54 : i32
    %dma_start3A_56 = tpu.memref_slice %arg3[%mul3A_55] : memref<320000xi32, #tpu.memory_space<hbm>> -> memref<128xi32, #tpu.memory_space<hbm>>
    %dma_start3A_57 = tpu.memref_slice %arg3[%mul3A_55] : memref<320000xi32, #tpu.memory_space<hbm>> -> memref<128xi32, #tpu.memory_space<hbm>>
    tpu.enqueue_dma source(%dma_start3A_57 : memref<128xi32, #tpu.memory_space<hbm>>) target(%arg9 : memref<128xi32, #tpu.memory_space<vmem>>) target_semaphore(%arg22 : memref<!tpu.dma_semaphore, #tpu.memory_space<semaphore_mem>>)
    %dma_start3A_58 = tpu.memref_slice %arg4[%mul3A_55] : memref<320000xi32, #tpu.memory_space<hbm>> -> memref<128xi32, #tpu.memory_space<hbm>>
    %dma_start3A_59 = tpu.memref_slice %arg4[%mul3A_55] : memref<320000xi32, #tpu.memory_space<hbm>> -> memref<128xi32, #tpu.memory_space<hbm>>
    tpu.enqueue_dma source(%dma_start3A_59 : memref<128xi32, #tpu.memory_space<hbm>>) target(%arg13 : memref<128xi32, #tpu.memory_space<vmem>>) target_semaphore(%arg22 : memref<!tpu.dma_semaphore, #tpu.memory_space<semaphore_mem>>)
    %dma_wait3A = arith.constant 0 : i32
    %dma_wait3A_60 = tpu.memref_slice %arg3[%dma_wait3A] : memref<320000xi32, #tpu.memory_space<hbm>> -> memref<128xi32, #tpu.memory_space<hbm>>
    %dma_wait3A_61 = arith.constant 0 : i32
    %dma_wait3A_62 = tpu.memref_slice %arg3[%dma_wait3A_61] : memref<320000xi32, #tpu.memory_space<hbm>> -> memref<128xi32, #tpu.memory_space<hbm>>
    tpu.wait_dma2 semaphore(%arg19 : memref<!tpu.dma_semaphore, #tpu.memory_space<semaphore_mem>>) src(%dma_wait3A_62 : memref<128xi32, #tpu.memory_space<hbm>>) dst(%arg6 : memref<128xi32, #tpu.memory_space<vmem>>)
    %dma_wait3A_63 = arith.constant 0 : i32
    %dma_wait3A_64 = tpu.memref_slice %arg4[%dma_wait3A_63] : memref<320000xi32, #tpu.memory_space<hbm>> -> memref<128xi32, #tpu.memory_space<hbm>>
    %dma_wait3A_65 = arith.constant 0 : i32
    %dma_wait3A_66 = tpu.memref_slice %arg4[%dma_wait3A_65] : memref<320000xi32, #tpu.memory_space<hbm>> -> memref<128xi32, #tpu.memory_space<hbm>>
    tpu.wait_dma2 semaphore(%arg19 : memref<!tpu.dma_semaphore, #tpu.memory_space<semaphore_mem>>) src(%dma_wait3A_66 : memref<128xi32, #tpu.memory_space<hbm>>) dst(%arg10 : memref<128xi32, #tpu.memory_space<vmem>>)
    %dma_start3A_67 = arith.constant 0 : i32
    %dma_start3A_68 = arith.constant 0 : i32
    %dma_start3A_69 = tpu.memref_slice %arg2[%dma_start3A_67, %dma_start3A_68] : memref<10000x128xf32, #tpu.memory_space<hbm>> -> memref<10000x128xf32, #tpu.memory_space<hbm>>
    tpu.enqueue_indirect_dma source(%dma_start3A_69 : memref<10000x128xf32, #tpu.memory_space<hbm>>) target(%arg14 : memref<128x128xf32, #tpu.memory_space<vmem>>) offsets(%arg6 : memref<128xi32, #tpu.memory_space<vmem>>) semaphore(%arg17 : memref<!tpu.dma_semaphore, #tpu.memory_space<semaphore_mem>>)
    %dma_wait3A_70 = arith.constant 0 : i32
    %dma_wait3A_71 = tpu.memref_slice %arg3[%dma_wait3A_70] : memref<320000xi32, #tpu.memory_space<hbm>> -> memref<128xi32, #tpu.memory_space<hbm>>
    %dma_wait3A_72 = arith.constant 0 : i32
    %dma_wait3A_73 = tpu.memref_slice %arg3[%dma_wait3A_72] : memref<320000xi32, #tpu.memory_space<hbm>> -> memref<128xi32, #tpu.memory_space<hbm>>
    tpu.wait_dma2 semaphore(%arg20 : memref<!tpu.dma_semaphore, #tpu.memory_space<semaphore_mem>>) src(%dma_wait3A_73 : memref<128xi32, #tpu.memory_space<hbm>>) dst(%arg7 : memref<128xi32, #tpu.memory_space<vmem>>)
    %dma_wait3A_74 = arith.constant 0 : i32
    %dma_wait3A_75 = tpu.memref_slice %arg4[%dma_wait3A_74] : memref<320000xi32, #tpu.memory_space<hbm>> -> memref<128xi32, #tpu.memory_space<hbm>>
    %dma_wait3A_76 = arith.constant 0 : i32
    %dma_wait3A_77 = tpu.memref_slice %arg4[%dma_wait3A_76] : memref<320000xi32, #tpu.memory_space<hbm>> -> memref<128xi32, #tpu.memory_space<hbm>>
    tpu.wait_dma2 semaphore(%arg20 : memref<!tpu.dma_semaphore, #tpu.memory_space<semaphore_mem>>) src(%dma_wait3A_77 : memref<128xi32, #tpu.memory_space<hbm>>) dst(%arg11 : memref<128xi32, #tpu.memory_space<vmem>>)
    %dma_start3A_78 = arith.constant 0 : i32
    %dma_start3A_79 = arith.constant 0 : i32
    %dma_start3A_80 = tpu.memref_slice %arg2[%dma_start3A_78, %dma_start3A_79] : memref<10000x128xf32, #tpu.memory_space<hbm>> -> memref<10000x128xf32, #tpu.memory_space<hbm>>
    tpu.enqueue_indirect_dma source(%dma_start3A_80 : memref<10000x128xf32, #tpu.memory_space<hbm>>) target(%arg15 : memref<128x128xf32, #tpu.memory_space<vmem>>) offsets(%arg7 : memref<128xi32, #tpu.memory_space<vmem>>) semaphore(%arg18 : memref<!tpu.dma_semaphore, #tpu.memory_space<semaphore_mem>>)
    %scan3A_81 = arith.constant 0 : i32
    %scan3A_82 = arith.constant 0 : i32
    %scan3A_83 = arith.constant 20 : i32
    %scan3A_84 = arith.addi %scan3A_82, %scan3A_83 : i32
    %scan3A_85 = arith.constant 1 : i32
    scf.for %scan3A_93 = %scan3A_82 to %scan3A_84 step %scan3A_85  : i32 {
      %mul3A_94 = arith.constant 4 : i32
      %mul3A_95 = arith.muli %scan3A_93, %mul3A_94 : i32
      %add3A_96 = arith.constant 0 : i32
      %add3A_97 = arith.addi %mul3A_95, %add3A_96 : i32
      %lt3A_98 = arith.cmpi slt, %add3A_97, %add3A_24 : i32
      %convert_element_type3A_99 = arith.extui %lt3A_98 : i1 to i32
      %cond3A_100 = arith.constant 0 : i32
      %cond3A_101 = arith.cmpi ne, %convert_element_type3A_99, %cond3A_100 : i32
      scf.if %cond3A_101 {
        %dma_wait3A_126 = arith.constant 0 : i32
        %dma_wait3A_127 = arith.constant 0 : i32
        %dma_wait3A_128 = tpu.memref_slice %arg2[%dma_wait3A_126, %dma_wait3A_127] : memref<10000x128xf32, #tpu.memory_space<hbm>> -> memref<10000x128xf32, #tpu.memory_space<hbm>>
        tpu.wait_indirect_dma semaphore(%arg17 : memref<!tpu.dma_semaphore, #tpu.memory_space<semaphore_mem>>) src(%dma_wait3A_128 : memref<10000x128xf32, #tpu.memory_space<hbm>>) dst(%arg14 : memref<128x128xf32, #tpu.memory_space<vmem>>)
        "tpu.region"() ({
          %run_scoped3A = tpu.sem_alloc : memref<!tpu.dma_semaphore, #tpu.memory_space<semaphore_mem>>
          %dma_start3A_141 = arith.constant 0 : i32
          %dma_start3A_142 = arith.constant 0 : i32
          %dma_start3A_143 = tpu.memref_slice %arg16[%dma_start3A_141, %dma_start3A_142] : memref<10000x128xf32, #tpu.memory_space<vmem_shared>> -> memref<10000x128xf32, #tpu.memory_space<vmem_shared>>
          tpu.enqueue_indirect_dma source(%arg14 : memref<128x128xf32, #tpu.memory_space<vmem>>) target(%dma_start3A_143 : memref<10000x128xf32, #tpu.memory_space<vmem_shared>>) offsets(%arg10 : memref<128xi32, #tpu.memory_space<vmem>>) semaphore(%run_scoped3A : memref<!tpu.dma_semaphore, #tpu.memory_space<semaphore_mem>>) {add = true}
          %dma_wait3A_144 = arith.constant 0 : i32
          %dma_wait3A_145 = arith.constant 0 : i32
          %dma_wait3A_146 = tpu.memref_slice %arg16[%dma_wait3A_144, %dma_wait3A_145] : memref<10000x128xf32, #tpu.memory_space<vmem_shared>> -> memref<10000x128xf32, #tpu.memory_space<vmem_shared>>
          tpu.wait_indirect_dma semaphore(%run_scoped3A : memref<!tpu.dma_semaphore, #tpu.memory_space<semaphore_mem>>) src(%arg14 : memref<128x128xf32, #tpu.memory_space<vmem>>) dst(%dma_wait3A_146 : memref<10000x128xf32, #tpu.memory_space<vmem_shared>>)
          tpu.yield
        }) : () -> ()
        %add3A_129 = arith.constant 2 : i32
        %add3A_130 = arith.addi %add3A_97, %add3A_129 : i32
        %lt3A_131 = arith.cmpi slt, %add3A_130, %add3A_24 : i32
        %convert_element_type3A_132 = arith.extui %lt3A_131 : i1 to i32
        %cond3A_133 = arith.constant 0 : i32
        %cond3A_134 = arith.cmpi ne, %convert_element_type3A_132, %cond3A_133 : i32
        scf.if %cond3A_134 {
          %dma_wait3A_141 = arith.constant 0 : i32
          %dma_wait3A_142 = tpu.memref_slice %arg3[%dma_wait3A_141] : memref<320000xi32, #tpu.memory_space<hbm>> -> memref<128xi32, #tpu.memory_space<hbm>>
          %dma_wait3A_143 = arith.constant 0 : i32
          %dma_wait3A_144 = tpu.memref_slice %arg3[%dma_wait3A_143] : memref<320000xi32, #tpu.memory_space<hbm>> -> memref<128xi32, #tpu.memory_space<hbm>>
          tpu.wait_dma2 semaphore(%arg21 : memref<!tpu.dma_semaphore, #tpu.memory_space<semaphore_mem>>) src(%dma_wait3A_144 : memref<128xi32, #tpu.memory_space<hbm>>) dst(%arg8 : memref<128xi32, #tpu.memory_space<vmem>>)
          %dma_wait3A_145 = arith.constant 0 : i32
          %dma_wait3A_146 = tpu.memref_slice %arg4[%dma_wait3A_145] : memref<320000xi32, #tpu.memory_space<hbm>> -> memref<128xi32, #tpu.memory_space<hbm>>
          %dma_wait3A_147 = arith.constant 0 : i32
          %dma_wait3A_148 = tpu.memref_slice %arg4[%dma_wait3A_147] : memref<320000xi32, #tpu.memory_space<hbm>> -> memref<128xi32, #tpu.memory_space<hbm>>
          tpu.wait_dma2 semaphore(%arg21 : memref<!tpu.dma_semaphore, #tpu.memory_space<semaphore_mem>>) src(%dma_wait3A_148 : memref<128xi32, #tpu.memory_space<hbm>>) dst(%arg12 : memref<128xi32, #tpu.memory_space<vmem>>)
          %dma_start3A_149 = arith.constant 0 : i32
          %dma_start3A_150 = arith.constant 0 : i32
          %dma_start3A_151 = tpu.memref_slice %arg2[%dma_start3A_149, %dma_start3A_150] : memref<10000x128xf32, #tpu.memory_space<hbm>> -> memref<10000x128xf32, #tpu.memory_space<hbm>>
          tpu.enqueue_indirect_dma source(%dma_start3A_151 : memref<10000x128xf32, #tpu.memory_space<hbm>>) target(%arg14 : memref<128x128xf32, #tpu.memory_space<vmem>>) offsets(%arg8 : memref<128xi32, #tpu.memory_space<vmem>>) semaphore(%arg17 : memref<!tpu.dma_semaphore, #tpu.memory_space<semaphore_mem>>)
        } else {
        }
        %add3A_135 = arith.constant 4 : i32
        %add3A_136 = arith.addi %add3A_97, %add3A_135 : i32
        %lt3A_137 = arith.cmpi slt, %add3A_136, %add3A_24 : i32
        %convert_element_type3A_138 = arith.extui %lt3A_137 : i1 to i32
        %cond3A_139 = arith.constant 0 : i32
        %cond3A_140 = arith.cmpi ne, %convert_element_type3A_138, %cond3A_139 : i32
        scf.if %cond3A_140 {
          %add3A_141 = arith.constant 4 : i32
          %add3A_142 = arith.addi %add3A_97, %add3A_141 : i32
          %add3A_143 = arith.addi %add3A_28, %add3A_142 : i32
          %mul3A_144 = arith.constant 128 : i32
          %mul3A_145 = arith.muli %add3A_143, %mul3A_144 : i32
          %dma_start3A_146 = tpu.memref_slice %arg3[%mul3A_145] : memref<320000xi32, #tpu.memory_space<hbm>> -> memref<128xi32, #tpu.memory_space<hbm>>
          %dma_start3A_147 = tpu.memref_slice %arg3[%mul3A_145] : memref<320000xi32, #tpu.memory_space<hbm>> -> memref<128xi32, #tpu.memory_space<hbm>>
          tpu.enqueue_dma source(%dma_start3A_147 : memref<128xi32, #tpu.memory_space<hbm>>) target(%arg6 : memref<128xi32, #tpu.memory_space<vmem>>) target_semaphore(%arg19 : memref<!tpu.dma_semaphore, #tpu.memory_space<semaphore_mem>>)
          %dma_start3A_148 = tpu.memref_slice %arg4[%mul3A_145] : memref<320000xi32, #tpu.memory_space<hbm>> -> memref<128xi32, #tpu.memory_space<hbm>>
          %dma_start3A_149 = tpu.memref_slice %arg4[%mul3A_145] : memref<320000xi32, #tpu.memory_space<hbm>> -> memref<128xi32, #tpu.memory_space<hbm>>
          tpu.enqueue_dma source(%dma_start3A_149 : memref<128xi32, #tpu.memory_space<hbm>>) target(%arg10 : memref<128xi32, #tpu.memory_space<vmem>>) target_semaphore(%arg19 : memref<!tpu.dma_semaphore, #tpu.memory_space<semaphore_mem>>)
        } else {
        }
      } else {
      }
      %mul3A_102 = arith.constant 4 : i32
      %mul3A_103 = arith.muli %scan3A_93, %mul3A_102 : i32
      %add3A_104 = arith.constant 1 : i32
      %add3A_105 = arith.addi %mul3A_103, %add3A_104 : i32
      %lt3A_106 = arith.cmpi slt, %add3A_105, %add3A_24 : i32
      %convert_element_type3A_107 = arith.extui %lt3A_106 : i1 to i32
      %cond3A_108 = arith.constant 0 : i32
      %cond3A_109 = arith.cmpi ne, %convert_element_type3A_107, %cond3A_108 : i32
      scf.if %cond3A_109 {
        %dma_wait3A_126 = arith.constant 0 : i32
        %dma_wait3A_127 = arith.constant 0 : i32
        %dma_wait3A_128 = tpu.memref_slice %arg2[%dma_wait3A_126, %dma_wait3A_127] : memref<10000x128xf32, #tpu.memory_space<hbm>> -> memref<10000x128xf32, #tpu.memory_space<hbm>>
        tpu.wait_indirect_dma semaphore(%arg18 : memref<!tpu.dma_semaphore, #tpu.memory_space<semaphore_mem>>) src(%dma_wait3A_128 : memref<10000x128xf32, #tpu.memory_space<hbm>>) dst(%arg15 : memref<128x128xf32, #tpu.memory_space<vmem>>)
        "tpu.region"() ({
          %run_scoped3A = tpu.sem_alloc : memref<!tpu.dma_semaphore, #tpu.memory_space<semaphore_mem>>
          %dma_start3A_141 = arith.constant 0 : i32
          %dma_start3A_142 = arith.constant 0 : i32
          %dma_start3A_143 = tpu.memref_slice %arg16[%dma_start3A_141, %dma_start3A_142] : memref<10000x128xf32, #tpu.memory_space<vmem_shared>> -> memref<10000x128xf32, #tpu.memory_space<vmem_shared>>
          tpu.enqueue_indirect_dma source(%arg15 : memref<128x128xf32, #tpu.memory_space<vmem>>) target(%dma_start3A_143 : memref<10000x128xf32, #tpu.memory_space<vmem_shared>>) offsets(%arg11 : memref<128xi32, #tpu.memory_space<vmem>>) semaphore(%run_scoped3A : memref<!tpu.dma_semaphore, #tpu.memory_space<semaphore_mem>>) {add = true}
          %dma_wait3A_144 = arith.constant 0 : i32
          %dma_wait3A_145 = arith.constant 0 : i32
          %dma_wait3A_146 = tpu.memref_slice %arg16[%dma_wait3A_144, %dma_wait3A_145] : memref<10000x128xf32, #tpu.memory_space<vmem_shared>> -> memref<10000x128xf32, #tpu.memory_space<vmem_shared>>
          tpu.wait_indirect_dma semaphore(%run_scoped3A : memref<!tpu.dma_semaphore, #tpu.memory_space<semaphore_mem>>) src(%arg15 : memref<128x128xf32, #tpu.memory_space<vmem>>) dst(%dma_wait3A_146 : memref<10000x128xf32, #tpu.memory_space<vmem_shared>>)
          tpu.yield
        }) : () -> ()
        %add3A_129 = arith.constant 2 : i32
        %add3A_130 = arith.addi %add3A_105, %add3A_129 : i32
        %lt3A_131 = arith.cmpi slt, %add3A_130, %add3A_24 : i32
        %convert_element_type3A_132 = arith.extui %lt3A_131 : i1 to i32
        %cond3A_133 = arith.constant 0 : i32
        %cond3A_134 = arith.cmpi ne, %convert_element_type3A_132, %cond3A_133 : i32
        scf.if %cond3A_134 {
          %dma_wait3A_141 = arith.constant 0 : i32
          %dma_wait3A_142 = tpu.memref_slice %arg3[%dma_wait3A_141] : memref<320000xi32, #tpu.memory_space<hbm>> -> memref<128xi32, #tpu.memory_space<hbm>>
          %dma_wait3A_143 = arith.constant 0 : i32
          %dma_wait3A_144 = tpu.memref_slice %arg3[%dma_wait3A_143] : memref<320000xi32, #tpu.memory_space<hbm>> -> memref<128xi32, #tpu.memory_space<hbm>>
          tpu.wait_dma2 semaphore(%arg22 : memref<!tpu.dma_semaphore, #tpu.memory_space<semaphore_mem>>) src(%dma_wait3A_144 : memref<128xi32, #tpu.memory_space<hbm>>) dst(%arg9 : memref<128xi32, #tpu.memory_space<vmem>>)
          %dma_wait3A_145 = arith.constant 0 : i32
          %dma_wait3A_146 = tpu.memref_slice %arg4[%dma_wait3A_145] : memref<320000xi32, #tpu.memory_space<hbm>> -> memref<128xi32, #tpu.memory_space<hbm>>
          %dma_wait3A_147 = arith.constant 0 : i32
          %dma_wait3A_148 = tpu.memref_slice %arg4[%dma_wait3A_147] : memref<320000xi32, #tpu.memory_space<hbm>> -> memref<128xi32, #tpu.memory_space<hbm>>
          tpu.wait_dma2 semaphore(%arg22 : memref<!tpu.dma_semaphore, #tpu.memory_space<semaphore_mem>>) src(%dma_wait3A_148 : memref<128xi32, #tpu.memory_space<hbm>>) dst(%arg13 : memref<128xi32, #tpu.memory_space<vmem>>)
          %dma_start3A_149 = arith.constant 0 : i32
          %dma_start3A_150 = arith.constant 0 : i32
          %dma_start3A_151 = tpu.memref_slice %arg2[%dma_start3A_149, %dma_start3A_150] : memref<10000x128xf32, #tpu.memory_space<hbm>> -> memref<10000x128xf32, #tpu.memory_space<hbm>>
          tpu.enqueue_indirect_dma source(%dma_start3A_151 : memref<10000x128xf32, #tpu.memory_space<hbm>>) target(%arg15 : memref<128x128xf32, #tpu.memory_space<vmem>>) offsets(%arg9 : memref<128xi32, #tpu.memory_space<vmem>>) semaphore(%arg18 : memref<!tpu.dma_semaphore, #tpu.memory_space<semaphore_mem>>)
        } else {
        }
        %add3A_135 = arith.constant 4 : i32
        %add3A_136 = arith.addi %add3A_105, %add3A_135 : i32
        %lt3A_137 = arith.cmpi slt, %add3A_136, %add3A_24 : i32
        %convert_element_type3A_138 = arith.extui %lt3A_137 : i1 to i32
        %cond3A_139 = arith.constant 0 : i32
        %cond3A_140 = arith.cmpi ne, %convert_element_type3A_138, %cond3A_139 : i32
        scf.if %cond3A_140 {
          %add3A_141 = arith.constant 4 : i32
          %add3A_142 = arith.addi %add3A_105, %add3A_141 : i32
          %add3A_143 = arith.addi %add3A_28, %add3A_142 : i32
          %mul3A_144 = arith.constant 128 : i32
          %mul3A_145 = arith.muli %add3A_143, %mul3A_144 : i32
          %dma_start3A_146 = tpu.memref_slice %arg3[%mul3A_145] : memref<320000xi32, #tpu.memory_space<hbm>> -> memref<128xi32, #tpu.memory_space<hbm>>
          %dma_start3A_147 = tpu.memref_slice %arg3[%mul3A_145] : memref<320000xi32, #tpu.memory_space<hbm>> -> memref<128xi32, #tpu.memory_space<hbm>>
          tpu.enqueue_dma source(%dma_start3A_147 : memref<128xi32, #tpu.memory_space<hbm>>) target(%arg7 : memref<128xi32, #tpu.memory_space<vmem>>) target_semaphore(%arg20 : memref<!tpu.dma_semaphore, #tpu.memory_space<semaphore_mem>>)
          %dma_start3A_148 = tpu.memref_slice %arg4[%mul3A_145] : memref<320000xi32, #tpu.memory_space<hbm>> -> memref<128xi32, #tpu.memory_space<hbm>>
          %dma_start3A_149 = tpu.memref_slice %arg4[%mul3A_145] : memref<320000xi32, #tpu.memory_space<hbm>> -> memref<128xi32, #tpu.memory_space<hbm>>
          tpu.enqueue_dma source(%dma_start3A_149 : memref<128xi32, #tpu.memory_space<hbm>>) target(%arg11 : memref<128xi32, #tpu.memory_space<vmem>>) target_semaphore(%arg20 : memref<!tpu.dma_semaphore, #tpu.memory_space<semaphore_mem>>)
        } else {
        }
      } else {
      }
      %mul3A_110 = arith.constant 4 : i32
      %mul3A_111 = arith.muli %scan3A_93, %mul3A_110 : i32
      %add3A_112 = arith.constant 2 : i32
      %add3A_113 = arith.addi %mul3A_111, %add3A_112 : i32
      %lt3A_114 = arith.cmpi slt, %add3A_113, %add3A_24 : i32
      %convert_element_type3A_115 = arith.extui %lt3A_114 : i1 to i32
      %cond3A_116 = arith.constant 0 : i32
      %cond3A_117 = arith.cmpi ne, %convert_element_type3A_115, %cond3A_116 : i32
      scf.if %cond3A_117 {
        %dma_wait3A_126 = arith.constant 0 : i32
        %dma_wait3A_127 = arith.constant 0 : i32
        %dma_wait3A_128 = tpu.memref_slice %arg2[%dma_wait3A_126, %dma_wait3A_127] : memref<10000x128xf32, #tpu.memory_space<hbm>> -> memref<10000x128xf32, #tpu.memory_space<hbm>>
        tpu.wait_indirect_dma semaphore(%arg17 : memref<!tpu.dma_semaphore, #tpu.memory_space<semaphore_mem>>) src(%dma_wait3A_128 : memref<10000x128xf32, #tpu.memory_space<hbm>>) dst(%arg14 : memref<128x128xf32, #tpu.memory_space<vmem>>)
        "tpu.region"() ({
          %run_scoped3A = tpu.sem_alloc : memref<!tpu.dma_semaphore, #tpu.memory_space<semaphore_mem>>
          %dma_start3A_141 = arith.constant 0 : i32
          %dma_start3A_142 = arith.constant 0 : i32
          %dma_start3A_143 = tpu.memref_slice %arg16[%dma_start3A_141, %dma_start3A_142] : memref<10000x128xf32, #tpu.memory_space<vmem_shared>> -> memref<10000x128xf32, #tpu.memory_space<vmem_shared>>
          tpu.enqueue_indirect_dma source(%arg14 : memref<128x128xf32, #tpu.memory_space<vmem>>) target(%dma_start3A_143 : memref<10000x128xf32, #tpu.memory_space<vmem_shared>>) offsets(%arg12 : memref<128xi32, #tpu.memory_space<vmem>>) semaphore(%run_scoped3A : memref<!tpu.dma_semaphore, #tpu.memory_space<semaphore_mem>>) {add = true}
          %dma_wait3A_144 = arith.constant 0 : i32
          %dma_wait3A_145 = arith.constant 0 : i32
          %dma_wait3A_146 = tpu.memref_slice %arg16[%dma_wait3A_144, %dma_wait3A_145] : memref<10000x128xf32, #tpu.memory_space<vmem_shared>> -> memref<10000x128xf32, #tpu.memory_space<vmem_shared>>
          tpu.wait_indirect_dma semaphore(%run_scoped3A : memref<!tpu.dma_semaphore, #tpu.memory_space<semaphore_mem>>) src(%arg14 : memref<128x128xf32, #tpu.memory_space<vmem>>) dst(%dma_wait3A_146 : memref<10000x128xf32, #tpu.memory_space<vmem_shared>>)
          tpu.yield
        }) : () -> ()
        %add3A_129 = arith.constant 2 : i32
        %add3A_130 = arith.addi %add3A_113, %add3A_129 : i32
        %lt3A_131 = arith.cmpi slt, %add3A_130, %add3A_24 : i32
        %convert_element_type3A_132 = arith.extui %lt3A_131 : i1 to i32
        %cond3A_133 = arith.constant 0 : i32
        %cond3A_134 = arith.cmpi ne, %convert_element_type3A_132, %cond3A_133 : i32
        scf.if %cond3A_134 {
          %dma_wait3A_141 = arith.constant 0 : i32
          %dma_wait3A_142 = tpu.memref_slice %arg3[%dma_wait3A_141] : memref<320000xi32, #tpu.memory_space<hbm>> -> memref<128xi32, #tpu.memory_space<hbm>>
          %dma_wait3A_143 = arith.constant 0 : i32
          %dma_wait3A_144 = tpu.memref_slice %arg3[%dma_wait3A_143] : memref<320000xi32, #tpu.memory_space<hbm>> -> memref<128xi32, #tpu.memory_space<hbm>>
          tpu.wait_dma2 semaphore(%arg19 : memref<!tpu.dma_semaphore, #tpu.memory_space<semaphore_mem>>) src(%dma_wait3A_144 : memref<128xi32, #tpu.memory_space<hbm>>) dst(%arg6 : memref<128xi32, #tpu.memory_space<vmem>>)
          %dma_wait3A_145 = arith.constant 0 : i32
          %dma_wait3A_146 = tpu.memref_slice %arg4[%dma_wait3A_145] : memref<320000xi32, #tpu.memory_space<hbm>> -> memref<128xi32, #tpu.memory_space<hbm>>
          %dma_wait3A_147 = arith.constant 0 : i32
          %dma_wait3A_148 = tpu.memref_slice %arg4[%dma_wait3A_147] : memref<320000xi32, #tpu.memory_space<hbm>> -> memref<128xi32, #tpu.memory_space<hbm>>
          tpu.wait_dma2 semaphore(%arg19 : memref<!tpu.dma_semaphore, #tpu.memory_space<semaphore_mem>>) src(%dma_wait3A_148 : memref<128xi32, #tpu.memory_space<hbm>>) dst(%arg10 : memref<128xi32, #tpu.memory_space<vmem>>)
          %dma_start3A_149 = arith.constant 0 : i32
          %dma_start3A_150 = arith.constant 0 : i32
          %dma_start3A_151 = tpu.memref_slice %arg2[%dma_start3A_149, %dma_start3A_150] : memref<10000x128xf32, #tpu.memory_space<hbm>> -> memref<10000x128xf32, #tpu.memory_space<hbm>>
          tpu.enqueue_indirect_dma source(%dma_start3A_151 : memref<10000x128xf32, #tpu.memory_space<hbm>>) target(%arg14 : memref<128x128xf32, #tpu.memory_space<vmem>>) offsets(%arg6 : memref<128xi32, #tpu.memory_space<vmem>>) semaphore(%arg17 : memref<!tpu.dma_semaphore, #tpu.memory_space<semaphore_mem>>)
        } else {
        }
        %add3A_135 = arith.constant 4 : i32
        %add3A_136 = arith.addi %add3A_113, %add3A_135 : i32
        %lt3A_137 = arith.cmpi slt, %add3A_136, %add3A_24 : i32
        %convert_element_type3A_138 = arith.extui %lt3A_137 : i1 to i32
        %cond3A_139 = arith.constant 0 : i32
        %cond3A_140 = arith.cmpi ne, %convert_element_type3A_138, %cond3A_139 : i32
        scf.if %cond3A_140 {
          %add3A_141 = arith.constant 4 : i32
          %add3A_142 = arith.addi %add3A_113, %add3A_141 : i32
          %add3A_143 = arith.addi %add3A_28, %add3A_142 : i32
          %mul3A_144 = arith.constant 128 : i32
          %mul3A_145 = arith.muli %add3A_143, %mul3A_144 : i32
          %dma_start3A_146 = tpu.memref_slice %arg3[%mul3A_145] : memref<320000xi32, #tpu.memory_space<hbm>> -> memref<128xi32, #tpu.memory_space<hbm>>
          %dma_start3A_147 = tpu.memref_slice %arg3[%mul3A_145] : memref<320000xi32, #tpu.memory_space<hbm>> -> memref<128xi32, #tpu.memory_space<hbm>>
          tpu.enqueue_dma source(%dma_start3A_147 : memref<128xi32, #tpu.memory_space<hbm>>) target(%arg8 : memref<128xi32, #tpu.memory_space<vmem>>) target_semaphore(%arg21 : memref<!tpu.dma_semaphore, #tpu.memory_space<semaphore_mem>>)
          %dma_start3A_148 = tpu.memref_slice %arg4[%mul3A_145] : memref<320000xi32, #tpu.memory_space<hbm>> -> memref<128xi32, #tpu.memory_space<hbm>>
          %dma_start3A_149 = tpu.memref_slice %arg4[%mul3A_145] : memref<320000xi32, #tpu.memory_space<hbm>> -> memref<128xi32, #tpu.memory_space<hbm>>
          tpu.enqueue_dma source(%dma_start3A_149 : memref<128xi32, #tpu.memory_space<hbm>>) target(%arg12 : memref<128xi32, #tpu.memory_space<vmem>>) target_semaphore(%arg21 : memref<!tpu.dma_semaphore, #tpu.memory_space<semaphore_mem>>)
        } else {
        }
      } else {
      }
      %mul3A_118 = arith.constant 4 : i32
      %mul3A_119 = arith.muli %scan3A_93, %mul3A_118 : i32
      %add3A_120 = arith.constant 3 : i32
      %add3A_121 = arith.addi %mul3A_119, %add3A_120 : i32
      %lt3A_122 = arith.cmpi slt, %add3A_121, %add3A_24 : i32
      %convert_element_type3A_123 = arith.extui %lt3A_122 : i1 to i32
      %cond3A_124 = arith.constant 0 : i32
      %cond3A_125 = arith.cmpi ne, %convert_element_type3A_123, %cond3A_124 : i32
      scf.if %cond3A_125 {
        %dma_wait3A_126 = arith.constant 0 : i32
        %dma_wait3A_127 = arith.constant 0 : i32
        %dma_wait3A_128 = tpu.memref_slice %arg2[%dma_wait3A_126, %dma_wait3A_127] : memref<10000x128xf32, #tpu.memory_space<hbm>> -> memref<10000x128xf32, #tpu.memory_space<hbm>>
        tpu.wait_indirect_dma semaphore(%arg18 : memref<!tpu.dma_semaphore, #tpu.memory_space<semaphore_mem>>) src(%dma_wait3A_128 : memref<10000x128xf32, #tpu.memory_space<hbm>>) dst(%arg15 : memref<128x128xf32, #tpu.memory_space<vmem>>)
        "tpu.region"() ({
          %run_scoped3A = tpu.sem_alloc : memref<!tpu.dma_semaphore, #tpu.memory_space<semaphore_mem>>
          %dma_start3A_141 = arith.constant 0 : i32
          %dma_start3A_142 = arith.constant 0 : i32
          %dma_start3A_143 = tpu.memref_slice %arg16[%dma_start3A_141, %dma_start3A_142] : memref<10000x128xf32, #tpu.memory_space<vmem_shared>> -> memref<10000x128xf32, #tpu.memory_space<vmem_shared>>
          tpu.enqueue_indirect_dma source(%arg15 : memref<128x128xf32, #tpu.memory_space<vmem>>) target(%dma_start3A_143 : memref<10000x128xf32, #tpu.memory_space<vmem_shared>>) offsets(%arg13 : memref<128xi32, #tpu.memory_space<vmem>>) semaphore(%run_scoped3A : memref<!tpu.dma_semaphore, #tpu.memory_space<semaphore_mem>>) {add = true}
          %dma_wait3A_144 = arith.constant 0 : i32
          %dma_wait3A_145 = arith.constant 0 : i32
          %dma_wait3A_146 = tpu.memref_slice %arg16[%dma_wait3A_144, %dma_wait3A_145] : memref<10000x128xf32, #tpu.memory_space<vmem_shared>> -> memref<10000x128xf32, #tpu.memory_space<vmem_shared>>
          tpu.wait_indirect_dma semaphore(%run_scoped3A : memref<!tpu.dma_semaphore, #tpu.memory_space<semaphore_mem>>) src(%arg15 : memref<128x128xf32, #tpu.memory_space<vmem>>) dst(%dma_wait3A_146 : memref<10000x128xf32, #tpu.memory_space<vmem_shared>>)
          tpu.yield
        }) : () -> ()
        %add3A_129 = arith.constant 2 : i32
        %add3A_130 = arith.addi %add3A_121, %add3A_129 : i32
        %lt3A_131 = arith.cmpi slt, %add3A_130, %add3A_24 : i32
        %convert_element_type3A_132 = arith.extui %lt3A_131 : i1 to i32
        %cond3A_133 = arith.constant 0 : i32
        %cond3A_134 = arith.cmpi ne, %convert_element_type3A_132, %cond3A_133 : i32
        scf.if %cond3A_134 {
          %dma_wait3A_141 = arith.constant 0 : i32
          %dma_wait3A_142 = tpu.memref_slice %arg3[%dma_wait3A_141] : memref<320000xi32, #tpu.memory_space<hbm>> -> memref<128xi32, #tpu.memory_space<hbm>>
          %dma_wait3A_143 = arith.constant 0 : i32
          %dma_wait3A_144 = tpu.memref_slice %arg3[%dma_wait3A_143] : memref<320000xi32, #tpu.memory_space<hbm>> -> memref<128xi32, #tpu.memory_space<hbm>>
          tpu.wait_dma2 semaphore(%arg20 : memref<!tpu.dma_semaphore, #tpu.memory_space<semaphore_mem>>) src(%dma_wait3A_144 : memref<128xi32, #tpu.memory_space<hbm>>) dst(%arg7 : memref<128xi32, #tpu.memory_space<vmem>>)
          %dma_wait3A_145 = arith.constant 0 : i32
          %dma_wait3A_146 = tpu.memref_slice %arg4[%dma_wait3A_145] : memref<320000xi32, #tpu.memory_space<hbm>> -> memref<128xi32, #tpu.memory_space<hbm>>
          %dma_wait3A_147 = arith.constant 0 : i32
          %dma_wait3A_148 = tpu.memref_slice %arg4[%dma_wait3A_147] : memref<320000xi32, #tpu.memory_space<hbm>> -> memref<128xi32, #tpu.memory_space<hbm>>
          tpu.wait_dma2 semaphore(%arg20 : memref<!tpu.dma_semaphore, #tpu.memory_space<semaphore_mem>>) src(%dma_wait3A_148 : memref<128xi32, #tpu.memory_space<hbm>>) dst(%arg11 : memref<128xi32, #tpu.memory_space<vmem>>)
          %dma_start3A_149 = arith.constant 0 : i32
          %dma_start3A_150 = arith.constant 0 : i32
          %dma_start3A_151 = tpu.memref_slice %arg2[%dma_start3A_149, %dma_start3A_150] : memref<10000x128xf32, #tpu.memory_space<hbm>> -> memref<10000x128xf32, #tpu.memory_space<hbm>>
          tpu.enqueue_indirect_dma source(%dma_start3A_151 : memref<10000x128xf32, #tpu.memory_space<hbm>>) target(%arg15 : memref<128x128xf32, #tpu.memory_space<vmem>>) offsets(%arg7 : memref<128xi32, #tpu.memory_space<vmem>>) semaphore(%arg18 : memref<!tpu.dma_semaphore, #tpu.memory_space<semaphore_mem>>)
        } else {
        }
        %add3A_135 = arith.constant 4 : i32
        %add3A_136 = arith.addi %add3A_121, %add3A_135 : i32
        %lt3A_137 = arith.cmpi slt, %add3A_136, %add3A_24 : i32
        %convert_element_type3A_138 = arith.extui %lt3A_137 : i1 to i32
        %cond3A_139 = arith.constant 0 : i32
        %cond3A_140 = arith.cmpi ne, %convert_element_type3A_138, %cond3A_139 : i32
        scf.if %cond3A_140 {
          %add3A_141 = arith.constant 4 : i32
          %add3A_142 = arith.addi %add3A_121, %add3A_141 : i32
          %add3A_143 = arith.addi %add3A_28, %add3A_142 : i32
          %mul3A_144 = arith.constant 128 : i32
          %mul3A_145 = arith.muli %add3A_143, %mul3A_144 : i32
          %dma_start3A_146 = tpu.memref_slice %arg3[%mul3A_145] : memref<320000xi32, #tpu.memory_space<hbm>> -> memref<128xi32, #tpu.memory_space<hbm>>
          %dma_start3A_147 = tpu.memref_slice %arg3[%mul3A_145] : memref<320000xi32, #tpu.memory_space<hbm>> -> memref<128xi32, #tpu.memory_space<hbm>>
          tpu.enqueue_dma source(%dma_start3A_147 : memref<128xi32, #tpu.memory_space<hbm>>) target(%arg9 : memref<128xi32, #tpu.memory_space<vmem>>) target_semaphore(%arg22 : memref<!tpu.dma_semaphore, #tpu.memory_space<semaphore_mem>>)
          %dma_start3A_148 = tpu.memref_slice %arg4[%mul3A_145] : memref<320000xi32, #tpu.memory_space<hbm>> -> memref<128xi32, #tpu.memory_space<hbm>>
          %dma_start3A_149 = tpu.memref_slice %arg4[%mul3A_145] : memref<320000xi32, #tpu.memory_space<hbm>> -> memref<128xi32, #tpu.memory_space<hbm>>
          tpu.enqueue_dma source(%dma_start3A_149 : memref<128xi32, #tpu.memory_space<hbm>>) target(%arg13 : memref<128xi32, #tpu.memory_space<vmem>>) target_semaphore(%arg22 : memref<!tpu.dma_semaphore, #tpu.memory_space<semaphore_mem>>)
        } else {
        }
      } else {
      }
    }
    %scan3A_86 = arith.constant 20 : i32
    %barrier3A_87 = arith.constant 0 : index
    tpu.barrier barrier_id(%barrier3A_87)
    "tpu.region"() ({
      %run_scoped3A = tpu.sem_alloc : memref<!tpu.dma_semaphore, #tpu.memory_space<semaphore_mem>>
      %dma_start3A_93 = arith.constant 0 : i32
      %dma_start3A_94 = tpu.memref_slice %arg5[%arg0, %mul3A_8, %dma_start3A_93] : memref<2x10000x128xf32, #tpu.memory_space<hbm>> -> memref<1x624x128xf32, #tpu.memory_space<hbm>>
      %dma_start3A_95 = tpu.memref_squeeze %dma_start3A_94 : memref<1x624x128xf32, #tpu.memory_space<hbm>> -> memref<624x128xf32, #tpu.memory_space<hbm>>
      %dma_start3A_96 = arith.constant 0 : i32
      %dma_start3A_97 = tpu.memref_slice %arg16[%mul3A_8, %dma_start3A_96] : memref<10000x128xf32, #tpu.memory_space<vmem_shared>> -> memref<624x128xf32, #tpu.memory_space<vmem_shared>>
      tpu.enqueue_dma source(%dma_start3A_97 : memref<624x128xf32, #tpu.memory_space<vmem_shared>>) target(%dma_start3A_95 : memref<624x128xf32, #tpu.memory_space<hbm>>) target_semaphore(%run_scoped3A : memref<!tpu.dma_semaphore, #tpu.memory_space<semaphore_mem>>)
      %dma_wait3A_98 = arith.constant 0 : i32
      %dma_wait3A_99 = tpu.memref_slice %arg5[%arg0, %mul3A_8, %dma_wait3A_98] : memref<2x10000x128xf32, #tpu.memory_space<hbm>> -> memref<1x624x128xf32, #tpu.memory_space<hbm>>
      %dma_wait3A_100 = tpu.memref_squeeze %dma_wait3A_99 : memref<1x624x128xf32, #tpu.memory_space<hbm>> -> memref<624x128xf32, #tpu.memory_space<hbm>>
      %dma_wait3A_101 = arith.constant 0 : i32
      %dma_wait3A_102 = tpu.memref_slice %arg16[%mul3A_8, %dma_wait3A_101] : memref<10000x128xf32, #tpu.memory_space<vmem_shared>> -> memref<624x128xf32, #tpu.memory_space<vmem_shared>>
      tpu.wait_dma2 semaphore(%run_scoped3A : memref<!tpu.dma_semaphore, #tpu.memory_space<semaphore_mem>>) src(%dma_wait3A_102 : memref<624x128xf32, #tpu.memory_space<vmem_shared>>) dst(%dma_wait3A_100 : memref<624x128xf32, #tpu.memory_space<hbm>>)
      tpu.yield
    }) : () -> ()
    %eq3A_88 = arith.constant 15 : i32
    %eq3A_89 = arith.cmpi eq, %arg1, %eq3A_88 : i32
    %convert_element_type3A_90 = arith.extui %eq3A_89 : i1 to i32
    %cond3A_91 = arith.constant 0 : i32
    %cond3A_92 = arith.cmpi ne, %convert_element_type3A_90, %cond3A_91 : i32
    scf.if %cond3A_92 {
      "tpu.region"() ({
        %run_scoped3A = tpu.sem_alloc : memref<!tpu.dma_semaphore, #tpu.memory_space<semaphore_mem>>
        %dma_start3A_93 = arith.constant 9984 : i32
        %dma_start3A_94 = arith.constant 0 : i32
        %dma_start3A_95 = tpu.memref_slice %arg5[%arg0, %dma_start3A_93, %dma_start3A_94] : memref<2x10000x128xf32, #tpu.memory_space<hbm>> -> memref<1x16x128xf32, #tpu.memory_space<hbm>>
        %dma_start3A_96 = tpu.memref_squeeze %dma_start3A_95 : memref<1x16x128xf32, #tpu.memory_space<hbm>> -> memref<16x128xf32, #tpu.memory_space<hbm>>
        %dma_start3A_97 = arith.constant 9984 : i32
        %dma_start3A_98 = arith.constant 0 : i32
        %dma_start3A_99 = tpu.memref_slice %arg16[%dma_start3A_97, %dma_start3A_98] : memref<10000x128xf32, #tpu.memory_space<vmem_shared>> -> memref<16x128xf32, #tpu.memory_space<vmem_shared>>
        tpu.enqueue_dma source(%dma_start3A_99 : memref<16x128xf32, #tpu.memory_space<vmem_shared>>) target(%dma_start3A_96 : memref<16x128xf32, #tpu.memory_space<hbm>>) target_semaphore(%run_scoped3A : memref<!tpu.dma_semaphore, #tpu.memory_space<semaphore_mem>>)
        %dma_wait3A_100 = arith.constant 9984 : i32
        %dma_wait3A_101 = arith.constant 0 : i32
        %dma_wait3A_102 = tpu.memref_slice %arg5[%arg0, %dma_wait3A_100, %dma_wait3A_101] : memref<2x10000x128xf32, #tpu.memory_space<hbm>> -> memref<1x16x128xf32, #tpu.memory_space<hbm>>
        %dma_wait3A_103 = tpu.memref_squeeze %dma_wait3A_102 : memref<1x16x128xf32, #tpu.memory_space<hbm>> -> memref<16x128xf32, #tpu.memory_space<hbm>>
        %dma_wait3A_104 = arith.constant 9984 : i32
        %dma_wait3A_105 = arith.constant 0 : i32
        %dma_wait3A_106 = tpu.memref_slice %arg16[%dma_wait3A_104, %dma_wait3A_105] : memref<10000x128xf32, #tpu.memory_space<vmem_shared>> -> memref<16x128xf32, #tpu.memory_space<vmem_shared>>
        tpu.wait_dma2 semaphore(%run_scoped3A : memref<!tpu.dma_semaphore, #tpu.memory_space<semaphore_mem>>) src(%dma_wait3A_106 : memref<16x128xf32, #tpu.memory_space<vmem_shared>>) dst(%dma_wait3A_103 : memref<16x128xf32, #tpu.memory_space<hbm>>)
        tpu.yield
      }) : () -> ()
    } else {
    }
    return
  }
}

module attributes {stable_mosaic.version = 14 : i64} {
  func.func @_tc_body(%arg0: memref<2x10000x128xf32, #tpu.memory_space<vmem>>, %arg1: memref<10000x128xf32, #tpu.memory_space<vmem>>, %arg2: memref<128x128xf32, #tpu.memory_space<vmem>>, %arg3: memref<128x128xf32, #tpu.memory_space<vmem>>, %arg4: memref<1x128xf32, #tpu.memory_space<vmem>>, %arg5: memref<1x128xf32, #tpu.memory_space<vmem>>, %arg6: memref<1x128xf32, #tpu.memory_space<vmem>>, %arg7: memref<10000x128xf32, #tpu.memory_space<vmem>>) attributes {dimension_semantics = [], scalar_prefetch = 0 : i64, scratch_operands = 0 : i64, tpu.core_type = #tpu.core_type<tc>} {
    %get3A = arith.constant 0 : index
    %get3A_0 = arith.constant 0 : index
    %get3A_1 = arith.constant 0 : index
    %get3A_2 = vector.load %arg0[%get3A, %get3A_0, %get3A_1] : memref<2x10000x128xf32, #tpu.memory_space<vmem>>, vector<1x10000x128xf32>
    %get3A_3 = vector.shape_cast %get3A_2 : vector<1x10000x128xf32> to vector<10000x128xf32>
    %get3A_4 = arith.constant 1 : index
    %get3A_5 = arith.constant 0 : index
    %get3A_6 = arith.constant 0 : index
    %get3A_7 = vector.load %arg0[%get3A_4, %get3A_5, %get3A_6] : memref<2x10000x128xf32, #tpu.memory_space<vmem>>, vector<1x10000x128xf32>
    %get3A_8 = vector.shape_cast %get3A_7 : vector<1x10000x128xf32> to vector<10000x128xf32>
    %add3A = arith.addf %get3A_3, %get3A_8 : vector<10000x128xf32>
    %get3A_9 = arith.constant 0 : index
    %get3A_10 = arith.constant 0 : index
    %get3A_11 = vector.load %arg2[%get3A_9, %get3A_10] : memref<128x128xf32, #tpu.memory_space<vmem>>, vector<128x128xf32>
    %dot_general3A = arith.constant dense<0.000000e+00> : vector<10000x128xf32>
    %dot_general3A_12 = tpu.matmul %add3A, %get3A_11, %dot_general3A {dimension_numbers = #tpu.dot_dimension_numbers<[1], [1], [0], [0], [0, 0, 1, 0], [], []>, transpose_lhs_hint = false} : vector<10000x128xf32>, vector<128x128xf32>, vector<10000x128xf32> -> vector<10000x128xf32>
    %get3A_13 = arith.constant 0 : index
    %get3A_14 = arith.constant 0 : index
    %get3A_15 = vector.load %arg1[%get3A_13, %get3A_14] : memref<10000x128xf32, #tpu.memory_space<vmem>>, vector<10000x128xf32>
    %get3A_16 = arith.constant 0 : index
    %get3A_17 = arith.constant 0 : index
    %get3A_18 = vector.load %arg3[%get3A_16, %get3A_17] : memref<128x128xf32, #tpu.memory_space<vmem>>, vector<128x128xf32>
    %dot_general3A_19 = arith.constant dense<0.000000e+00> : vector<10000x128xf32>
    %dot_general3A_20 = tpu.matmul %get3A_15, %get3A_18, %dot_general3A_19 {dimension_numbers = #tpu.dot_dimension_numbers<[1], [1], [0], [0], [0, 0, 1, 0], [], []>, transpose_lhs_hint = false} : vector<10000x128xf32>, vector<128x128xf32>, vector<10000x128xf32> -> vector<10000x128xf32>
    %add3A_21 = arith.addf %dot_general3A_12, %dot_general3A_20 : vector<10000x128xf32>
    %get3A_22 = arith.constant 0 : index
    %get3A_23 = arith.constant 0 : index
    %get3A_24 = vector.load %arg4[%get3A_22, %get3A_23] : memref<1x128xf32, #tpu.memory_space<vmem>>, vector<1x128xf32>
    %add3A_25 = vector.broadcast %get3A_24 : vector<1x128xf32> to vector<10000x128xf32>
    %add3A_26 = arith.addf %add3A_21, %add3A_25 : vector<10000x128xf32>
    %max3A = arith.constant 0.000000e+00 : f32
    %max3A_27 = vector.broadcast %max3A : f32 to vector<10000x128xf32>
    %max3A_28 = arith.maximumf %add3A_26, %max3A_27 : vector<10000x128xf32>
    %reduce_sum3A = arith.constant dense<0.000000e+00> : vector<128xf32>
    %reduce_sum3A_29 = vector.multi_reduction <add>, %max3A_28, %reduce_sum3A [0] : vector<10000x128xf32> to vector<128xf32>
    %broadcast_in_dim3A = vector.shape_cast %reduce_sum3A_29 : vector<128xf32> to vector<1x128xf32>
    %div3A = arith.constant 1.000000e+04 : f32
    %div3A_30 = vector.broadcast %div3A : f32 to vector<1x128xf32>
    %div3A_31 = arith.divf %broadcast_in_dim3A, %div3A_30 : vector<1x128xf32>
    %sub3A = vector.broadcast %div3A_31 : vector<1x128xf32> to vector<10000x128xf32>
    %sub3A_32 = arith.subf %max3A_28, %sub3A : vector<10000x128xf32>
    %integer_pow3A = arith.mulf %sub3A_32, %sub3A_32 : vector<10000x128xf32>
    %reduce_sum3A_33 = arith.constant dense<0.000000e+00> : vector<128xf32>
    %reduce_sum3A_34 = vector.multi_reduction <add>, %integer_pow3A, %reduce_sum3A_33 [0] : vector<10000x128xf32> to vector<128xf32>
    %broadcast_in_dim3A_35 = vector.shape_cast %reduce_sum3A_34 : vector<128xf32> to vector<1x128xf32>
    %div3A_36 = arith.constant 1.000000e+04 : f32
    %div3A_37 = vector.broadcast %div3A_36 : f32 to vector<1x128xf32>
    %div3A_38 = arith.divf %broadcast_in_dim3A_35, %div3A_37 : vector<1x128xf32>
    %sub3A_39 = vector.broadcast %div3A_31 : vector<1x128xf32> to vector<10000x128xf32>
    %sub3A_40 = arith.subf %max3A_28, %sub3A_39 : vector<10000x128xf32>
    %add3A_41 = arith.constant 9.99999974E-6 : f32
    %add3A_42 = vector.broadcast %add3A_41 : f32 to vector<1x128xf32>
    %add3A_43 = arith.addf %div3A_38, %add3A_42 : vector<1x128xf32>
    %rsqrt3A = math.rsqrt %add3A_43 : vector<1x128xf32>
    %mul3A = vector.broadcast %rsqrt3A : vector<1x128xf32> to vector<10000x128xf32>
    %mul3A_44 = arith.mulf %sub3A_40, %mul3A : vector<10000x128xf32>
    %get3A_45 = arith.constant 0 : index
    %get3A_46 = arith.constant 0 : index
    %get3A_47 = vector.load %arg5[%get3A_45, %get3A_46] : memref<1x128xf32, #tpu.memory_space<vmem>>, vector<1x128xf32>
    %mul3A_48 = vector.broadcast %get3A_47 : vector<1x128xf32> to vector<10000x128xf32>
    %mul3A_49 = arith.mulf %mul3A_44, %mul3A_48 : vector<10000x128xf32>
    %get3A_50 = arith.constant 0 : index
    %get3A_51 = arith.constant 0 : index
    %get3A_52 = vector.load %arg6[%get3A_50, %get3A_51] : memref<1x128xf32, #tpu.memory_space<vmem>>, vector<1x128xf32>
    %add3A_53 = vector.broadcast %get3A_52 : vector<1x128xf32> to vector<10000x128xf32>
    %add3A_54 = arith.addf %mul3A_49, %add3A_53 : vector<10000x128xf32>
    %swap3A = arith.constant 0 : index
    %swap3A_55 = arith.constant 0 : index
    %swap3A_56 = vector.load %arg7[%swap3A, %swap3A_55] : memref<10000x128xf32, #tpu.memory_space<vmem>>, vector<10000x128xf32>
    tpu.vector_store %arg7[%swap3A, %swap3A_55], %add3A_54 {strides = array<i32>} : memref<10000x128xf32, #tpu.memory_space<vmem>>, vector<10000x128xf32>,
    return
  }
}

</mosaic_0001>

<sc_bundles>
// kernel: kernel.4.cloned.1.call-start
scs
__scs_entry_jumppad:
0x0: {  	(pc) =	sbr.rel $0x88, $3  }
0x1: {  	(tag) =	ssettag $0x0;
	lr =	simm.s32 $0x1  }
0x2: {  	[smem:$0x3F99] =	sst lr;
	_ =	strace $0xD0000000  }
0x3: {  	_ = 	snop  }
0x4: {  	_ = 	snop  }
0x5: {  	_ = 	snop  }
0x6: {  	_ = 	snop  }
0x7: {  	_ = 	snop  }
__scs_overlays_trampoline_lowered:
0x8: {  	[smem:$0x3FA8] =	sst s0  }
0x9: {  	[smem:$0x3FA9] =	sst s1  }
0xa: {  	[smem:$0x3FAA] =	sst s2  }
0xb: {  	[smem:$0x3FAB] =	sst s3  }
0xc: {  	[smem:$0x3FAC] =	sst s4  }
0xd: {  	[smem:$0x3FAD] =	sst s5  }
0xe: {  	[smem:$0x3FAE] =	sst s6  }
0xf: {  	[smem:$0x3FAF] =	sst s7  }
0x10: {  	[smem:$0x3FB0] =	sst s8  }
0x11: {  	[smem:$0x3FB1] =	sst s9;
	s0 =	simm.s32 @!p0 $0x0  }
0x12: {  	s1 =	sld [smem:$0x3F97];
	s0 =	simm.s32 @p0 $0x1  }
0x13: {  	[smem:$0x3FB2] =	sst s0;
	s0 =	simm.s32 @!p1 $0x0  }
0x14: {  	s2 =	sld [smem:$0x3F96];
	s0 =	simm.s32 @p1 $0x1  }
0x15: {  	[smem:$0x3FB3] =	sst s0;
	s0 =	simm.s32 @!p2 $0x0  }
0x16: {  	s3 =	sld [smem:$0x3FDB];
	s0 =	simm.s32 @p2 $0x1  }
0x17: {  	s4 =	simm.s32 $0x1BF5;
	[smem:$0x3FB5] =	sst s0  }
0x18: {  	s0 =	sld [smem:$0x3F98];
	_ =	swait.ge [sflag:s4], $0x0  }
0x19: {  	s7 =	sld [smem:$0x3F99]  }
0x1a: {  	s8 =	sadd.s32 $0xFFFFE003, lr  }
0x1b: {  	s9 =	sadd.s32 $0xFFFFFEF7, lr;
	s5 =	simm.s32 $0xFFFFFFFF;
	p2 =	slt.u32 s8, $0xFFFFF086  }
0x1c: {  	p1 =	slt.u32 s9, $0xF7A;
	s5 =	simm.s32 @!p2 $0x0  }
0x1d: {  	s5 =	simm.s32 @p1 $0x1;
	p0 =	seq.s32 s7, s2  }
0x1e: {  	s7 =	smul.u32 @!p0 $0xF7A, s2;
	p2 =	seq.s32 @!p0 s5, $0x0  }
0x1f: {  	s9 =	smul.u32 $0xF7A, s1;
	s8 =	simm.s32 @!p0 $0x1BF5;
	p2 =	por !p2, p0  }
0x20: {  	[sflag:s8] =	ssyncset.s32 @!p0 $0xFFFFF086;
	s6 =	sadd.s32 @!p0 s3, s7;
	s7 =	simm.s32 @!p0 $0x108  }
0x21: {  	s3 =	sadd.s32 s3, s9;
	s6 =	sadd.s32 @!p0 $0x88, s6;
	s7 =	simm.s32 @p2 $0x1082  }
0x22: {  	[simem:s7], [sflag:s8] =	dma.local @!p0 [hbm:s6], $0xF7A  }
0x23: {  	s9 =	sor.u32 $0xD0000000, s2;
	s6 =	simm.s32 $0x108;
	_ =	swait.ge @!p0 [sflag:s8], $0x0  }
0x24: {  	s3 =	sadd.s32 $0x88, s3;
	s6 =	simm.s32 @!p1 $0x1082;
	[sflag:s4] =	ssyncset.s32 $0xFFFFF086  }
0x25: {  	[simem:s6], [sflag:s4] =	dma.local [hbm:s3], $0xF7A  }
0x26: {  	[smem:$0x3F99] =	sst s1;
	(tag) =	ssettag s2;
	_ =	strace s9  }
0x27: {  	s1 =	sld [smem:$0x3FA9]  }
0x28: {  	s2 =	sld [smem:$0x3FAA]  }
0x29: {  	s4 =	sld [smem:$0x3FAC]  }
0x2a: {  	p0 =	seq.s32 s5, $0x0;
	s5 =	sld [smem:$0x3FAD]  }
0x2b: {  	s6 =	sld [smem:$0x3FAE]  }
0x2c: {  	s7 =	sld [smem:$0x3FAF]  }
0x2d: {  	s3 =	simm.s32 $0x108;
	s8 =	sld [smem:$0x3FB0]  }
0x2e: {  	s3 =	simm.s32 @!p0 $0x1082;
	s9 =	sld [smem:$0x3FB1]  }
0x2f: {  	lr =	sadd.s32 s0, s3;
	s0 =	sld [smem:$0x3FA8]  }
0x30: {  	s3 =	sld [smem:$0x3FAB]  }
0x31: {  	[smem:$0x3FB4] =	sst s10  }
0x32: {  	s10 =	sld [smem:$0x3FB2];
	_ =	sdelay $0x3  }
0x33: {  	p0 =	seq.s32 s10, $0x1;
	s10 =	sld [smem:$0x3FB4];
	_ =	sdelay $0x3  }
0x34: {  	[smem:$0x3FB4] =	sst s10  }
0x35: {  	s10 =	sld [smem:$0x3FB3];
	_ =	sdelay $0x3  }
0x36: {  	p1 =	seq.s32 s10, $0x1;
	s10 =	sld [smem:$0x3FB4];
	_ =	sdelay $0x3  }
0x37: {  	[smem:$0x3FB4] =	sst s10  }
0x38: {  	s10 =	sld [smem:$0x3FB5]  }
0x39: {  	_ = 	snop;
	(pc) =	sbr.ind lr, $3  }
0x3a: {  	_ = 	snop  }
0x3b: {  	_ = 	snop  }
0x3c: {  	p2 =	seq.s32 s10, $0x1;
	s10 =	sld [smem:$0x3FB4]  }
0x3d: {  	_ =	shalt  }
0x3e: {  	_ =	shalt  }
0x3f: {  	_ =	shalt  }
0x40: {  	_ =	shalt  }
0x41: {  	_ =	shalt  }
0x42: {  	_ =	shalt  }
0x43: {  	_ =	shalt  }
0x44: {  	_ =	shalt  }
0x45: {  	_ =	shalt  }
0x46: {  	_ =	shalt  }
0x47: {  	_ =	shalt  }
0x48: {  	_ =	shalt  }
0x49: {  	_ =	shalt  }
0x4a: {  	_ =	shalt  }
0x4b: {  	_ =	shalt  }
0x4c: {  	_ =	shalt  }
0x4d: {  	_ =	shalt  }
0x4e: {  	_ =	shalt  }
0x4f: {  	_ =	shalt  }
0x50: {  	_ =	shalt  }
0x51: {  	_ =	shalt  }
0x52: {  	_ =	shalt  }
0x53: {  	_ =	shalt  }
0x54: {  	_ =	shalt  }
0x55: {  	_ =	shalt  }
0x56: {  	_ =	shalt  }
0x57: {  	_ =	shalt  }
0x58: {  	_ =	shalt  }
0x59: {  	_ =	shalt  }
0x5a: {  	_ =	shalt  }
0x5b: {  	_ =	shalt  }
0x5c: {  	_ =	shalt  }
0x5d: {  	_ =	shalt  }
0x5e: {  	_ =	shalt  }
0x5f: {  	_ =	shalt  }
0x60: {  	_ =	shalt  }
0x61: {  	_ =	shalt  }
0x62: {  	_ =	shalt  }
0x63: {  	_ =	shalt  }
0x64: {  	_ =	shalt  }
0x65: {  	_ =	shalt  }
0x66: {  	_ =	shalt  }
0x67: {  	_ =	shalt  }
0x68: {  	_ =	shalt  }
0x69: {  	_ =	shalt  }
0x6a: {  	_ =	shalt  }
0x6b: {  	_ =	shalt  }
0x6c: {  	_ =	shalt  }
0x6d: {  	_ =	shalt  }
0x6e: {  	_ =	shalt  }
0x6f: {  	_ =	shalt  }
0x70: {  	_ =	shalt  }
0x71: {  	_ =	shalt  }
0x72: {  	_ =	shalt  }
0x73: {  	_ =	shalt  }
0x74: {  	_ =	shalt  }
0x75: {  	_ =	shalt  }
0x76: {  	_ =	shalt  }
0x77: {  	_ =	shalt  }
0x78: {  	_ =	shalt  }
0x79: {  	_ =	shalt  }
0x7a: {  	_ =	shalt  }
0x7b: {  	_ =	shalt  }
0x7c: {  	_ =	shalt  }
0x7d: {  	_ =	shalt  }
0x7e: {  	_ =	shalt  }
0x7f: {  	_ =	shalt  }
0x80: {  	_ =	shalt  }
0x81: {  	_ =	shalt  }
0x82: {  	_ =	shalt  }
0x83: {  	_ =	shalt  }
0x84: {  	_ =	shalt  }
0x85: {  	_ =	shalt  }
0x86: {  	_ =	shalt  }
0x87: {  	_ =	shalt  }
.Lfunc_end0:
.L_simem_size_0:
called_computation_lowered:
.L_overlay_start_0:
0x88: {  	s2 =	sld [smem:$0x3FD9]  }
0x89: {  	s3 =	sld [smem:$0x3FFE];
	_ =	sdelay $0x1  }
0x8a: {  	s1 =	srdreg.scid  }
0x8b: {  	s0 =	sand.u32 $0x1, s1  }
0x8c: {  	s17 =	sshll.u32 s0, $0xA;
	s2 =	sadd.s32 s3, s2  }
0x8d: {  	s2 =	sadd.s32 s2, s17  }
0x8e: {  	[smem:$0x3FC0] =	sst s2  }
0x8f: {  	_ = 	snop  }
0x90: {  	s2 =	sld [smem:$0x3FC9]  }
0x91: {  	s18 =	sld [smem:$0x3FD0];
	(tm) =	ssettm $0x1  }
0x92: {  	s4 =	sld [smem:$0x3FFB];
	_ =	sdelay $0x3  }
0x93: {  	_ =	strace s4  }
0x94: {  	s4 =	sld [smem:$0x3FFC];
	_ =	sdelay $0x3  }
0x95: {  	_ =	strace s4  }
0x96: {  	s4 =	sld [smem:$0x3FFD];
	_ =	sdelay $0x3  }
0x97: {  	_ =	strace s4  }
0x98: {  	_ =	strace $0x8FFFFFFF  }
0x99: {  	s19 =	sld [smem:$0x3FDB];
	_ =	sdelay $0x1  }
0x9a: {  	s5 =	simm.s32 $_scs_section_size  }
0x9b: {  	s6 =	simm.s32 $_size__tile_overlayer_lowered;
	s7 =	simm.s32 $_tile_overlayer_lowered  }
0x9c: {  	s22 =	simm.s32 $0x1BFF;
	s21 =	sshll.u32 s7, $0x1;
	s4 =	sadd.s32 s5, s19  }
0x9d: {  	s8 =	simm.s32 $0x0;
	s20 =	sshll.u32 s6, $0x1;
	s6 =	sadd.s32 s21, s4  }
0x9e: {  	[timem:s8], [sflag:s22] =	dma.local [hbm:s6], s20  }
0x9f: {  	_ =	swait.ge [sflag:s22], s20  }
0xa0: {  	s5 =	ssub.s32 $0x0, s20;
	[sflag:s22] =	ssyncset.done $0x0  }
0xa1: {  	[sflag:s22] =	ssyncadd.s32 s5;
	_ =	sdelay $0x1  }
0xa2: {  	s23 =	simm.s32 $0x1B8B  }
0xa3: {  	_ =	swait.ge [sflag:s23], $0x1  }
0xa4: {  	[sflag:s23] =	ssyncset.done $0x0  }
0xa5: {  	s25 =	simm.s32 $0x1B8E;
	s24 =	sld [smem:$0x3FFE];
	[sflag:s23] =	ssyncadd.s32 $0xFFFFFFFF  }
0xa6: {  	s26 =	simm.s32 $execute0_lowered;
	[smem:$0x3FD2] =	sst s25  }
0xa7: {  	s6 =	sshll.u32 s26, $0x1;
	_ =	strace $0x80000046;
	[dreg:$0x1] =	wrdreg $0xFFFFFFFF  }
0xa8: {  	s28 =	simm.s32 $_size_execute0_lowered;
	s4 =	sadd.s32 s4, s6;
	[dreg:$0x0] =	wrdreg $0x0  }
0xa9: {  	s6 =	sshll.u32 s28, $0x1;
	[dreg:$0x2] =	wrdreg s4  }
0xaa: {  	[dreg:$0x3] =	wrdreg s6  }
0xab: {  	[dreg:$0x4] =	wrdreg $0xC0  }
0xac: {  	_ =	task [dreg:s8], $0x5FFFF  }
0xad: {  	[dreg:$0x1] =	wrdreg $0xFFFFFFFF  }
0xae: {  	[dreg:$0x0] =	wrdreg $0x60  }
0xaf: {  	[dreg:$0x2] =	wrdreg s2  }
0xb0: {  	[dreg:$0x3] =	wrdreg s24  }
0xb1: {  	[dreg:$0x4] =	wrdreg s18  }
0xb2: {  	[dreg:$0x5] =	wrdreg $0x84000  }
0xb3: {  	[dreg:$0x6] =	wrdreg $0x9  }
0xb4: {  	_ =	task.clear_ibuf [dreg:s8], $0x7FFFF;
	_ =	strace $0x90000046  }
0xb5: {  	s29 =	simm.s32 $0x9;
	_ =	strace $0x80000048  }
0xb6: {  	_ =	swait.ge [sflag:s29], $0x1  }
0xb7: {  	[sflag:s29] =	ssyncadd.s32 $0xFFFFFFFF  }
0xb8: {  	_ =	strace $0x90000048  }
0xb9: {  	_ =	sfence  }
0xba: {  	s30 =	sld [smem:$0x0];
	_ =	sdelay $0x2  }
0xbb: {  	s31 =	sshll.u32 s1, $0xD;
	s1 =	sshrl.u32 s1, $0x2  }
0xbc: {  	s3 =	sand.u32 $0x4000, s31;
	s1 =	sadd.s32 s1, s30  }
0xbd: {  	s0 =	sor.u32 s3, s0;
	s1 =	sshll.u32 s1, $0x11  }
0xbe: {  	s0 =	sor.u32 s1, s0  }
0xbf: {  	s0 =	sadd.s32 $0x8F2B, s0  }
0xc0: {  	[sflag:s0] =	ssyncadd.remote.s32 $0x1  }
0xc1: {  	_ =	sfence.sel $0xFFFF  }
0xc2: {  	[dreg:$0x0] =	wrdreg $0xFFFFFFFF;
	(pc) =	sbr.abs _section_cstart, $3  }
0xc3: {  	[dreg:$0x1] =	wrdreg $0xFFFFFFFF  }
0xc4: {  	_ =	task.clear_ibuf [dreg:s8], $0x2FFFF;
	_ =	strace $0x9FFFFFFF  }
0xc5: {  	(tm) =	ssettm $0x7FFFFFFF  }
tec
execute0_lowered:
.L_overlay_start_1:
0x0: {  	(tag) =	ssettag $0x1  }
0x1: {  	s1 =	rddreg [dreg:$0x0]  }
0x2: {  	s5 =	rddreg [dreg:$0x1]  }
0x3: {  	s0 =	rddreg [dreg:$0x2]  }
0x4: {  	s2 =	rddreg [dreg:$0x3]  }
0x5: {  	s4 =	simm.s32 $0x0;
	s3 =	srdreg.scid;
	s17 =	stileid.u32  }
0x6: {  	s28 =	simm.s32 $0x280;
	s29 =	simm.s32 $0x3;
	s30 =	simm.s32 $0x4  }
0x7: {  	s31 =	simm.s32 $0x4400;
	[smem:$0x7FF] =	sst s4;
	s7 =	sand.u32 $0x1, s3  }
0x8: {  	s6 =	smul.u32 $0x4E000, s17;
	s3 =	sadd.s32 $0x1200, s5;
	s10 =	sshll.u32 s17, $0x1  }
0x9: {  	p0 =	slt.u32 s17, $0x2;
	s26 =	sor.u32 s7, s10;
	s10 =	simm.s32 $0x4F  }
0xa: {  	s8 =	sadd.s32 $0xB000, s5;
	s23 =	smul.u32 $0x13800, s17;
	s10 =	simm.s32 @!p0 $0x4E  }
0xb: {  	_ =	strace $0x80000047;
	s25 =	ssub.s32 $0x2, s7;
	s19 =	sadd.s32 $0xFFFFFFFE, s10  }
0xc: {  	s9 =	sshrl.u32 s25, $0x1;
	s20 =	sadd.s32 $0xFFFFFFFD, s10;
	[dreg:$0x5] =	wrdreg s19  }
0xd: {  	s11 =	sshrl.u32 s6, $0x2;
	s21 =	sadd.s32 $0xFFFFFFFC, s10;
	[dreg:$0x6] =	wrdreg s20  }
0xe: {  	s5 =	sadd.s32 s11, s2;
	s24 =	sadd.s32 $0xFFFFFFFB, s10;
	[dreg:$0x7] =	wrdreg s21  }
0xf: {  	s13 =	smul.u32 $0x4E, s26;
	s11 =	sadd.s32 $0x4000, s5;
	[dreg:$0x8] =	wrdreg s24  }
0x10: {  	s6 =	ssub.s32 s25, s9;
	s12 =	sadd.s32 $0x8000, s5;
	[dreg:$0x11] =	wrdreg s11  }
0x11: {  	s9 =	smin.u32 s26, $0x4;
	s14 =	sadd.s32 $0xC000, s5;
	[dreg:$0x12] =	wrdreg s12  }
0x12: {  	s15 =	sadd.s32 $0x10000, s5;
	[dreg:$0x13] =	wrdreg s14;
	s12 =	sadd.s32 s9, s13  }
0x13: {  	p0 =	sne.s32 s17, $0xF;
	[dreg:$0x14] =	wrdreg s15;
	s12 =	sshll.u32 s12, $0x4  }
0x14: {  	s11 =	sadd.s32 $0x138000, s2;
	s15 =	smul.u32 $0x9C, s17;
	s13 =	sadd.s32 s3, s12  }
0x15: {  	s16 =	sadd.s32 s0, s12;
	s18 =	sadd.s32 $0x10, s12;
	[dreg:$0x15] =	wrdreg s13  }
0x16: {  	[dreg:$0x16] =	wrdreg s16;
	s14 =	sadd.s32 s3, s18;
	s16 =	smul.u32 $0x4E, s7  }
0x17: {  	s13 =	sadd.s32 s0, s18;
	s7 =	smul.u32 $0x138800, s7;
	[dreg:$0x17] =	wrdreg s14  }
0x18: {  	s18 =	sadd.s32 $0x20, s12;
	s12 =	sadd.s32 $0x30, s12;
	[dreg:$0x18] =	wrdreg s13  }
0x19: {  	s24 =	sadd.s32 s0, s18;
	s22 =	sadd.s32 s16, s15;
	s25 =	sadd.s32 s23, s7  }
0x1a: {  	s7 =	sshrl.u32 s7, $0x3;
	[dreg:$0x1b] =	wrdreg s24;
	s9 =	sadd.s32 s9, s22  }
0x1b: {  	s13 =	sshrl.u32 s25, $0x3;
	s22 =	sadd.s32 s3, s18;
	s9 =	sshll.u32 s9, $0x4  }
0x1c: {  	s13 =	sadd.s32 s8, s13;
	[dreg:$0x1a] =	wrdreg s22;
	s26 =	sadd.s32 $0x70, s9  }
0x1d: {  	s24 =	simm.s32 $0x7;
	[dreg:$0x19] =	wrdreg s13;
	s13 =	sadd.s32 s26, s3  }
0x1e: {  	s16 =	sadd.s32 $0x60, s9;
	s15 =	sadd.s32 s26, s0;
	[dreg:$0x9] =	wrdreg s13  }
0x1f: {  	s7 =	sadd.s32 s8, s7;
	s19 =	sadd.s32 s16, s3;
	[dreg:$0xa] =	wrdreg s15  }
0x20: {  	s21 =	sadd.s32 s9, s3;
	s20 =	sadd.s32 s16, s0;
	[dreg:$0xb] =	wrdreg s19  }
0x21: {  	s25 =	sadd.s32 s9, s0;
	s23 =	sadd.s32 $0x40, s21;
	[dreg:$0xc] =	wrdreg s20  }
0x22: {  	s22 =	smax.u32 s6, $0x1;
	s8 =	sadd.s32 $0x40, s25;
	[dreg:$0xd] =	wrdreg s23  }
0x23: {  	s9 =	sadd.s32 $0x50, s9;
	s26 =	sadd.s32 s3, s12;
	[dreg:$0xe] =	wrdreg s8  }
0x24: {  	s3 =	sadd.s32 s9, s3;
	s21 =	sadd.s32 $0x27000, s7;
	[dreg:$0x1c] =	wrdreg s26  }
0x25: {  	s25 =	simm.s32 $0x200;
	s20 =	sadd.s32 s0, s12;
	[dreg:$0xf] =	wrdreg s3  }
0x26: {  	s0 =	sadd.s32 s9, s0;
	s23 =	simm.s32 $0x400;
	s26 =	simm.s32 $0x80  }
0x27: {  	v0 =	vimm.f32 $0.0e+00;
	s3 =	simm.s32 $0x2;
	[dreg:$0x10] =	wrdreg s0;
	s0 =	simm.s32 $0x1  }
.LBB2_1:
0x28: {  	s6 =	simm.s32 $0x0;
	s7 =	simm.s32 $0x200  }
.LBB2_2:
0x29: {  	p1 =	sne.s32 s7, $0xFE00;
	[tilespmem:s6+$0x470] =	vst v0  }
0x2a: {  	[tilespmem:s6+$0x400] =	vst v0  }
0x2b: {  	[tilespmem:s6+$0x410] =	vst v0  }
.Ltmp0:
0x2c: {  	[tilespmem:s6+$0x420] =	vst v0;
	(pc) =	sbr.rel @p1 .LBB2_2-.Ltmp0, $4  }
0x2d: {  	[tilespmem:s6+$0x430] =	vst v0  }
0x2e: {  	[tilespmem:s6+$0x440] =	vst v0  }
0x2f: {  	[tilespmem:s6+$0x450] =	vst v0  }
0x30: {  	[tilespmem:s6+$0x460] =	vst v0;
	s6 =	sshra.s32 s7, $0x2;
	s7 =	sadd.s32 $0x200, s7  }
0x31: {  	[tilespmem:s6+$0x470] =	vst v0  }
0x32: {  	[tilespmem:s6+$0x400] =	vst v0  }
0x33: {  	[tilespmem:s6+$0x410] =	vst v0  }
0x34: {  	[tilespmem:s6+$0x420] =	vst v0  }
0x35: {  	[tilespmem:s6+$0x430] =	vst v0  }
0x36: {  	[tilespmem:s6+$0x440] =	vst v0  }
0x37: {  	[tilespmem:s6+$0x450] =	vst v0  }
0x38: {  	[tilespmem:s6+$0x460] =	vst v0  }
0x39: {  	[spmem:s5] =	stream.linear.scatter [tilespmem:s23], [sflag:$0x7], $0x4000, $0x38;
	[tilespmem:$0x1BC80] =	vst v63  }
0x3a: {  	_ =	swait.ge [sflag:s24], $0x4000  }
0x3b: {  	[sflag:s24] =	ssyncset.done $0x0  }
0x3c: {  	s14 =	rddreg [dreg:$0x11];
	[sflag:s24] =	ssyncadd.s32 $0xFFFFC000  }
0x3d: {  	[spmem:s14] =	stream.linear.scatter [tilespmem:s23], [sflag:$0x7], $0x4000, $0x38;
	[tilespmem:$0x1BC80] =	vst v63  }
0x3e: {  	_ =	swait.ge [sflag:s24], $0x4000  }
0x3f: {  	[sflag:s24] =	ssyncset.done $0x0  }
0x40: {  	s15 =	rddreg [dreg:$0x12];
	[sflag:s24] =	ssyncadd.s32 $0xFFFFC000  }
0x41: {  	[spmem:s15] =	stream.linear.scatter [tilespmem:s23], [sflag:$0x7], $0x4000, $0x38;
	[tilespmem:$0x1BC80] =	vst v63  }
0x42: {  	_ =	swait.ge [sflag:s24], $0x4000  }
0x43: {  	[sflag:s24] =	ssyncset.done $0x0  }
0x44: {  	s16 =	rddreg [dreg:$0x13];
	[sflag:s24] =	ssyncadd.s32 $0xFFFFC000  }
0x45: {  	[spmem:s16] =	stream.linear.scatter [tilespmem:s23], [sflag:$0x7], $0x4000, $0x38;
	[tilespmem:$0x1BC80] =	vst v63  }
0x46: {  	_ =	swait.ge [sflag:s24], $0x4000  }
0x47: {  	[sflag:s24] =	ssyncset.done $0x0  }
0x48: {  	s17 =	rddreg [dreg:$0x14];
	[sflag:s24] =	ssyncadd.s32 $0xFFFFC000  }
0x49: {  	[spmem:s17] =	stream.linear.scatter [tilespmem:s23], [sflag:$0x7], $0x3800, $0x38;
	[tilespmem:$0x1BC80] =	vst v63  }
0x4a: {  	_ =	swait.ge [sflag:s24], $0x3800  }
0x4b: {  	[sflag:s24] =	ssyncset.done $0x0  }
0x4c: {  	s6 =	simm.s32 @!p0 $0x400;
	[sflag:s24] =	ssyncadd.s32 $0xFFFFC800  }
0x4d: {  	[spmem:s11] =	stream.linear.scatter @!p0 [tilespmem:s6], [sflag:$0x7], $0x800, $0x38;
	[tilespmem:$0x1BC80] =	vst v63  }
0x4e: {  	s6 =	simm.s32 @!p0 $0x7  }
0x4f: {  	_ =	swait.ge @!p0 [sflag:s6], $0x800  }
0x50: {  	[sflag:s6] =	ssyncset.done @!p0 $0x0  }
0x51: {  	[sflag:s6] =	ssyncadd.s32 @!p0 $0xFFFFF800  }
0x52: {  	[bflag:$0x0] =	sbarrier.arrive $0xFFFF  }
0x53: {  	s18 =	simm.s32 $0x0;
	s7 =	rddreg [dreg:$0x15]  }
0x54: {  	[tilespmem:s18], [sflag:$0x3] =	stream.linear.gather [hbm4b:s7+s18], $0x80, $0x38;
	[tilespmem:$0x1BC80] =	vst v63  }
0x55: {  	s19 =	rddreg [dreg:$0x16]  }
0x56: {  	[tilespmem:s25], [sflag:$0x3] =	stream.linear.gather [hbm4b:s19+s18], $0x80, $0x38;
	[tilespmem:$0x1BC80] =	vst v63  }
0x57: {  	s8 =	rddreg [dreg:$0x17]  }
0x58: {  	[tilespmem:s26], [sflag:$0x4] =	stream.linear.gather [hbm4b:s8+s18], $0x80, $0x38;
	[tilespmem:$0x1BC80] =	vst v63  }
0x59: {  	s9 =	rddreg [dreg:$0x18]  }
0x5a: {  	[tilespmem:s28], [sflag:$0x4] =	stream.linear.gather [hbm4b:s9+s18], $0x80, $0x38;
	[tilespmem:$0x1BC80] =	vst v63  }
0x5b: {  	s12 =	rddreg [dreg:$0x1a];
	s8 =	simm.s32 $0x100  }
0x5c: {  	[tilespmem:s8], [sflag:$0x5] =	stream.linear.gather [hbm4b:s12+s18], $0x80, $0x38;
	[tilespmem:$0x1BC80] =	vst v63  }
0x5d: {  	s14 =	simm.s32 $0x300;
	s13 =	rddreg [dreg:$0x1b]  }
0x5e: {  	[tilespmem:s14], [sflag:$0x5] =	stream.linear.gather [hbm4b:s13+s18], $0x80, $0x38;
	[tilespmem:$0x1BC80] =	vst v63  }
0x5f: {  	s16 =	simm.s32 $0x180;
	s15 =	rddreg [dreg:$0x1c]  }
0x60: {  	[tilespmem:s16], [sflag:$0x6] =	stream.linear.gather [hbm4b:s15+s18], $0x80, $0x38;
	[tilespmem:$0x1BC80] =	vst v63  }
0x61: {  	s17 =	simm.s32 $0x380  }
0x62: {  	[tilespmem:s17], [sflag:$0x6] =	stream.linear.gather [hbm4b:s20+s18], $0x80, $0x38;
	[tilespmem:$0x1BC80] =	vst v63  }
0x63: {  	_ =	swait.ge [sflag:s29], $0x80  }
0x64: {  	[sflag:s29] =	ssyncset.done $0x0  }
0x65: {  	[sflag:s29] =	ssyncadd.s32 $0xFFFFFF80  }
0x66: {  	_ =	swait.ge [sflag:s29], $0x80  }
0x67: {  	[sflag:s29] =	ssyncset.done $0x0  }
0x68: {  	[sflag:s29] =	ssyncadd.s32 $0xFFFFFF80  }
0x69: {  	[tilespmem:s23], [sflag:$0x1] =	stream.indirect.gather [hbm4b:s1+s26], $0x80, s18, s26, $0xb8;
	[tilespmem:$0x1BC80] =	vst v63  }
0x6a: {  	_ =	swait.ge [sflag:s30], $0x80  }
0x6b: {  	[sflag:s30] =	ssyncset.done $0x0  }
0x6c: {  	[sflag:s30] =	ssyncadd.s32 $0xFFFFFF80  }
0x6d: {  	_ =	swait.ge [sflag:s30], $0x80  }
0x6e: {  	[sflag:s30] =	ssyncset.done $0x0  }
0x6f: {  	[sflag:s30] =	ssyncadd.s32 $0xFFFFFF80  }
0x70: {  	[tilespmem:s31], [sflag:$0x2] =	stream.indirect.gather [hbm4b:s1+s26], $0x80, s26, s26, $0xb8;
	[tilespmem:$0x1BC80] =	vst v63  }
0x71: {  	_ =	swait.ge [sflag:s0], $0x4000  }
0x72: {  	[sflag:s0] =	ssyncset.done $0x0  }
0x73: {  	[sflag:s0] =	ssyncadd.s32 $0xFFFFC000  }
0x74: {  	[spmem:s2] =	stream.indirect.scatter.add.f32 [tilespmem:s23], [sflag:$0x7], $0x80, s25, s26, $0xb8;
	[tilespmem:$0x1BC80] =	vst v63  }
0x75: {  	_ =	swait.ge [sflag:s24], $0x4000  }
0x76: {  	s18 =	rddreg [dreg:$0x5]  }
0x77: {  	[sflag:s24] =	ssyncset.done $0x0;
	p1 =	sle.u32 s18, $0x0  }
0x78: {  	[sflag:s24] =	ssyncadd.s32 $0xFFFFC000;
	s6 =	simm.s32 @!p1 $0x5  }
0x79: {  	_ =	swait.ge @!p1 [sflag:s6], $0x80  }
0x7a: {  	[sflag:s6] =	ssyncset.done @!p1 $0x0  }
0x7b: {  	[sflag:s6] =	ssyncadd.s32 @!p1 $0xFFFFFF80  }
0x7c: {  	p2 =	sle.u32 s10, $0x4;
	_ =	swait.ge @!p1 [sflag:s6], $0x80  }
0x7d: {  	s7 =	simm.s32 @!p1 $0x100;
	s8 =	simm.s32 @!p1 $0x400;
	[sflag:s6] =	ssyncset.done @!p1 $0x0  }
0x7e: {  	s9 =	rddreg [dreg:$0xd];
	[sflag:s6] =	ssyncadd.s32 @!p1 $0xFFFFFF80;
	s6 =	simm.s32 @!p1 $0x80  }
0x7f: {  	[tilespmem:s8], [sflag:$0x1] =	stream.indirect.gather @!p1 [hbm4b:s1+s6], $0x80, s7, s6, $0xb8;
	[tilespmem:$0x1BC80] =	vst v63  }
0x80: {  	s12 =	rddreg [dreg:$0xe];
	s7 =	sadd.s32 @!p2 $0x0, s9;
	s9 =	simm.s32 @!p2 $0x0  }
0x81: {  	[tilespmem:s9], [sflag:$0x3] =	stream.linear.gather @!p2 [hbm4b:s7+s9], $0x80, $0x38;
	[tilespmem:$0x1BC80] =	vst v63  }
0x82: {  	s7 =	sadd.s32 @!p2 $0x0, s12;
	s12 =	simm.s32 @!p2 $0x200  }
0x83: {  	[tilespmem:s12], [sflag:$0x3] =	stream.linear.gather @!p2 [hbm4b:s7+s9], $0x80, $0x38;
	[tilespmem:$0x1BC80] =	vst v63  }
0x84: {  	_ =	swait.ge [sflag:s3], $0x4000  }
0x85: {  	[sflag:s3] =	ssyncset.done $0x0  }
0x86: {  	[sflag:s3] =	ssyncadd.s32 $0xFFFFC000  }
0x87: {  	[spmem:s2] =	stream.indirect.scatter.add.f32 [tilespmem:s31], [sflag:$0x7], $0x80, s28, s26, $0xb8;
	[tilespmem:$0x1BC80] =	vst v63  }
0x88: {  	_ =	swait.ge [sflag:s24], $0x4000  }
0x89: {  	s19 =	rddreg [dreg:$0x6]  }
0x8a: {  	[sflag:s24] =	ssyncset.done $0x0;
	p2 =	sle.u32 s19, $0x0  }
0x8b: {  	[sflag:s24] =	ssyncadd.s32 $0xFFFFC000;
	s7 =	simm.s32 @!p2 $0x6  }
0x8c: {  	_ =	swait.ge @!p2 [sflag:s7], $0x80  }
0x8d: {  	[sflag:s7] =	ssyncset.done @!p2 $0x0  }
0x8e: {  	p3 =	sle.u32 s10, $0x5;
	[sflag:s7] =	ssyncadd.s32 @!p2 $0xFFFFFF80  }
0x8f: {  	s15 =	simm.s32 @!p3 $0x80;
	_ =	swait.ge @!p2 [sflag:s7], $0x80  }
0x90: {  	s9 =	simm.s32 @!p2 $0x180;
	s12 =	simm.s32 @!p2 $0x4400;
	[sflag:s7] =	ssyncset.done @!p2 $0x0  }
0x91: {  	s13 =	rddreg [dreg:$0xf];
	[sflag:s7] =	ssyncadd.s32 @!p2 $0xFFFFFF80;
	s7 =	simm.s32 @!p2 $0x80  }
0x92: {  	[tilespmem:s12], [sflag:$0x2] =	stream.indirect.gather @!p2 [hbm4b:s1+s7], $0x80, s9, s7, $0xb8;
	[tilespmem:$0x1BC80] =	vst v63  }
0x93: {  	s14 =	rddreg [dreg:$0x10];
	s9 =	sadd.s32 @!p3 $0x0, s13;
	s13 =	simm.s32 @!p3 $0x0  }
0x94: {  	[tilespmem:s15], [sflag:$0x4] =	stream.linear.gather @!p3 [hbm4b:s9+s13], $0x80, $0x38;
	[tilespmem:$0x1BC80] =	vst v63  }
0x95: {  	s9 =	sadd.s32 @!p3 $0x0, s14;
	s14 =	simm.s32 @!p3 $0x280  }
0x96: {  	[tilespmem:s14], [sflag:$0x4] =	stream.linear.gather @!p3 [hbm4b:s9+s13], $0x80, $0x38;
	[tilespmem:$0x1BC80] =	vst v63  }
0x97: {  	s9 =	simm.s32 @!p1 $0x1  }
0x98: {  	_ =	swait.ge @!p1 [sflag:s9], $0x4000  }
0x99: {  	[sflag:s9] =	ssyncset.done @!p1 $0x0  }
0x9a: {  	s13 =	simm.s32 @!p1 $0x7;
	[sflag:s9] =	ssyncadd.s32 @!p1 $0xFFFFC000;
	s9 =	simm.s32 @!p1 $0x300  }
0x9b: {  	[spmem:s2] =	stream.indirect.scatter.add.f32 @!p1 [tilespmem:s8], [sflag:$0x7], $0x80, s9, s6, $0xb8;
	[tilespmem:$0x1BC80] =	vst v63  }
0x9c: {  	_ =	swait.ge @!p1 [sflag:s13], $0x4000  }
0x9d: {  	s6 =	rddreg [dreg:$0x7]  }
0x9e: {  	p3 =	sle.u32 @!p1 s6, $0x0  }
0x9f: {  	[sflag:s13] =	ssyncset.done @!p1 $0x0;
	p3 =	por p3, p1  }
0xa0: {  	[sflag:s13] =	ssyncadd.s32 @!p1 $0xFFFFC000;
	s6 =	simm.s32 @!p3 $0x3  }
0xa1: {  	_ =	swait.ge @!p3 [sflag:s6], $0x80  }
0xa2: {  	[sflag:s6] =	ssyncset.done @!p3 $0x0  }
0xa3: {  	[sflag:s6] =	ssyncadd.s32 @!p3 $0xFFFFFF80  }
0xa4: {  	p4 =	sle.u32 @!p1 s10, $0x6;
	_ =	swait.ge @!p3 [sflag:s6], $0x80  }
0xa5: {  	s8 =	simm.s32 @!p3 $0x400;
	s9 =	simm.s32 @!p3 $0x0;
	[sflag:s6] =	ssyncset.done @!p3 $0x0  }
0xa6: {  	s13 =	rddreg [dreg:$0xb];
	[sflag:s6] =	ssyncadd.s32 @!p3 $0xFFFFFF80;
	s6 =	simm.s32 @!p3 $0x80  }
0xa7: {  	[tilespmem:s8], [sflag:$0x1] =	stream.indirect.gather @!p3 [hbm4b:s1+s6], $0x80, s9, s6, $0xb8;
	[tilespmem:$0x1BC80] =	vst v63  }
0xa8: {  	p1 =	por p4, p1;
	s6 =	rddreg [dreg:$0xc]  }
0xa9: {  	s8 =	sadd.s32 @!p1 $0x0, s13;
	s9 =	simm.s32 @!p1 $0x0;
	s13 =	simm.s32 @!p1 $0x100  }
0xaa: {  	[tilespmem:s13], [sflag:$0x5] =	stream.linear.gather @!p1 [hbm4b:s8+s9], $0x80, $0x38;
	[tilespmem:$0x1BC80] =	vst v63  }
0xab: {  	s6 =	sadd.s32 @!p1 $0x0, s6;
	s8 =	simm.s32 @!p1 $0x300  }
0xac: {  	[tilespmem:s8], [sflag:$0x5] =	stream.linear.gather @!p1 [hbm4b:s6+s9], $0x80, $0x38;
	[tilespmem:$0x1BC80] =	vst v63  }
0xad: {  	s6 =	simm.s32 @!p2 $0x2  }
0xae: {  	_ =	swait.ge @!p2 [sflag:s6], $0x4000  }
0xaf: {  	[sflag:s6] =	ssyncset.done @!p2 $0x0  }
0xb0: {  	s8 =	simm.s32 @!p2 $0x7;
	[sflag:s6] =	ssyncadd.s32 @!p2 $0xFFFFC000;
	s6 =	simm.s32 @!p2 $0x380  }
0xb1: {  	[spmem:s2] =	stream.indirect.scatter.add.f32 @!p2 [tilespmem:s12], [sflag:$0x7], $0x80, s6, s7, $0xb8;
	[tilespmem:$0x1BC80] =	vst v63  }
0xb2: {  	_ =	swait.ge @!p2 [sflag:s8], $0x4000  }
0xb3: {  	s6 =	rddreg [dreg:$0x8]  }
0xb4: {  	p1 =	sle.u32 @!p2 s6, $0x0  }
0xb5: {  	[sflag:s8] =	ssyncset.done @!p2 $0x0;
	p1 =	por p1, p2  }
0xb6: {  	[sflag:s8] =	ssyncadd.s32 @!p2 $0xFFFFC000;
	s6 =	simm.s32 @!p1 $0x4  }
0xb7: {  	_ =	swait.ge @!p1 [sflag:s6], $0x80  }
0xb8: {  	[sflag:s6] =	ssyncset.done @!p1 $0x0  }
0xb9: {  	p3 =	sle.u32 @!p2 s10, $0x7;
	[sflag:s6] =	ssyncadd.s32 @!p1 $0xFFFFFF80  }
0xba: {  	p2 =	por p3, p2;
	s7 =	simm.s32 @!p1 $0x4400;
	_ =	swait.ge @!p1 [sflag:s6], $0x80  }
0xbb: {  	s9 =	simm.s32 @!p1 $0x80;
	[sflag:s6] =	ssyncset.done @!p1 $0x0;
	s8 =	rddreg [dreg:$0x9]  }
0xbc: {  	s12 =	rddreg [dreg:$0xa];
	[sflag:s6] =	ssyncadd.s32 @!p1 $0xFFFFFF80;
	s6 =	sadd.s32 @!p2 $0x0, s8  }
0xbd: {  	[tilespmem:s7], [sflag:$0x2] =	stream.indirect.gather @!p1 [hbm4b:s1+s9], $0x80, s9, s9, $0xb8;
	[tilespmem:$0x1BC80] =	vst v63  }
0xbe: {  	s8 =	sadd.s32 @!p2 $0x0, s12;
	s9 =	simm.s32 @!p2 $0x0;
	s7 =	simm.s32 @!p2 $0x180  }
0xbf: {  	[tilespmem:s7], [sflag:$0x6] =	stream.linear.gather @!p2 [hbm4b:s6+s9], $0x80, $0x38;
	[tilespmem:$0x1BC80] =	vst v63  }
0xc0: {  	s12 =	simm.s32 @!p2 $0x380;
	s6 =	simm.s32 $0x40;
	s7 =	simm.s32 $0x4  }
.LBB2_4:
0xc1: {  	[tilespmem:s12], [sflag:$0x6] =	stream.linear.gather @!p2 [hbm4b:s8+s9], $0x80, $0x38;
	[tilespmem:$0x1BC80] =	vst v63  }
0xc2: {  	_ =	swait.ge [sflag:s0], $0x4000  }
0xc3: {  	[sflag:s0] =	ssyncset.done $0x0  }
0xc4: {  	[sflag:s0] =	ssyncadd.s32 $0xFFFFC000  }
0xc5: {  	[spmem:s2] =	stream.indirect.scatter.add.f32 [tilespmem:s23], [sflag:$0x7], $0x80, s25, s26, $0xb8;
	[tilespmem:$0x1BC80] =	vst v63  }
0xc6: {  	_ =	swait.ge [sflag:s24], $0x4000  }
0xc7: {  	s18 =	rddreg [dreg:$0x5]  }
0xc8: {  	[sflag:s24] =	ssyncset.done $0x0;
	p3 =	sge.u32 s7, s18  }
0xc9: {  	[sflag:s24] =	ssyncadd.s32 $0xFFFFC000;
	s12 =	simm.s32 @!p3 $0x5  }
0xca: {  	_ =	swait.ge @!p3 [sflag:s12], $0x80  }
0xcb: {  	s8 =	smov.u32 s6;
	s9 =	smov.u32 s7;
	[sflag:s12] =	ssyncset.done @!p3 $0x0  }
0xcc: {  	s13 =	sadd.s32 @!p3 $0x6, s7;
	s14 =	simm.s32 @!p3 $0x100;
	[sflag:s12] =	ssyncadd.s32 @!p3 $0xFFFFFF80  }
0xcd: {  	s7 =	sadd.s32 $0x4, s7;
	s15 =	simm.s32 @!p3 $0x80;
	_ =	swait.ge @!p3 [sflag:s12], $0x80  }
0xce: {  	p5 =	sge.u32 @!p3 s13, s10;
	s13 =	simm.s32 @!p3 $0x400;
	[sflag:s12] =	ssyncset.done @!p3 $0x0  }
0xcf: {  	p2 =	sge.u32 s7, s10;
	s16 =	rddreg [dreg:$0xd];
	[sflag:s12] =	ssyncadd.s32 @!p3 $0xFFFFFF80  }
0xd0: {  	[tilespmem:s13], [sflag:$0x1] =	stream.indirect.gather @!p3 [hbm4b:s1+s15], $0x80, s14, s15, $0xb8;
	[tilespmem:$0x1BC80] =	vst v63  }
0xd1: {  	s12 =	rddreg [dreg:$0xe];
	s14 =	sadd.s32 @!p2 s8, s16;
	s16 =	simm.s32 @!p2 $0x0  }
0xd2: {  	[tilespmem:s16], [sflag:$0x3] =	stream.linear.gather @!p2 [hbm4b:s14+s16], $0x80, $0x38;
	[tilespmem:$0x1BC80] =	vst v63  }
0xd3: {  	s12 =	sadd.s32 @!p2 s8, s12;
	s14 =	simm.s32 @!p2 $0x200  }
0xd4: {  	[tilespmem:s14], [sflag:$0x3] =	stream.linear.gather @!p2 [hbm4b:s12+s16], $0x80, $0x38;
	[tilespmem:$0x1BC80] =	vst v63  }
0xd5: {  	_ =	swait.ge [sflag:s3], $0x4000  }
0xd6: {  	[sflag:s3] =	ssyncset.done $0x0  }
0xd7: {  	[sflag:s3] =	ssyncadd.s32 $0xFFFFC000  }
0xd8: {  	[spmem:s2] =	stream.indirect.scatter.add.f32 [tilespmem:s31], [sflag:$0x7], $0x80, s28, s26, $0xb8;
	[tilespmem:$0x1BC80] =	vst v63  }
0xd9: {  	_ =	swait.ge [sflag:s24], $0x4000  }
0xda: {  	s19 =	rddreg [dreg:$0x6]  }
0xdb: {  	[sflag:s24] =	ssyncset.done $0x0;
	p2 =	sge.u32 s9, s19  }
0xdc: {  	[sflag:s24] =	ssyncadd.s32 $0xFFFFC000;
	s14 =	simm.s32 @!p2 $0x6  }
0xdd: {  	s17 =	sadd.s32 $0x5, s9;
	_ =	swait.ge @!p2 [sflag:s14], $0x80  }
0xde: {  	p6 =	sge.u32 s17, s10;
	[sflag:s14] =	ssyncset.done @!p2 $0x0  }
0xdf: {  	s19 =	simm.s32 @!p6 $0x80;
	[sflag:s14] =	ssyncadd.s32 @!p2 $0xFFFFFF80  }
0xe0: {  	s12 =	sadd.s32 @!p2 $0x7, s9;
	s16 =	simm.s32 @!p2 $0x180;
	_ =	swait.ge @!p2 [sflag:s14], $0x80  }
0xe1: {  	p4 =	sge.u32 @!p2 s12, s10;
	s12 =	simm.s32 @!p2 $0x4400;
	[sflag:s14] =	ssyncset.done @!p2 $0x0  }
0xe2: {  	s17 =	rddreg [dreg:$0xf];
	[sflag:s14] =	ssyncadd.s32 @!p2 $0xFFFFFF80;
	s14 =	simm.s32 @!p2 $0x80  }
0xe3: {  	[tilespmem:s12], [sflag:$0x2] =	stream.indirect.gather @!p2 [hbm4b:s1+s14], $0x80, s16, s14, $0xb8;
	[tilespmem:$0x1BC80] =	vst v63  }
0xe4: {  	s18 =	rddreg [dreg:$0x10];
	s16 =	sadd.s32 @!p6 s8, s17;
	s17 =	simm.s32 @!p6 $0x0  }
0xe5: {  	[tilespmem:s19], [sflag:$0x4] =	stream.linear.gather @!p6 [hbm4b:s16+s17], $0x80, $0x38;
	[tilespmem:$0x1BC80] =	vst v63  }
0xe6: {  	s16 =	sadd.s32 @!p6 s8, s18;
	s18 =	simm.s32 @!p6 $0x280;
	s19 =	simm.s32 @!p3 $0x1  }
0xe7: {  	[tilespmem:s18], [sflag:$0x4] =	stream.linear.gather @!p6 [hbm4b:s16+s17], $0x80, $0x38;
	[tilespmem:$0x1BC80] =	vst v63  }
0xe8: {  	_ =	swait.ge @!p3 [sflag:s19], $0x4000  }
0xe9: {  	[sflag:s19] =	ssyncset.done @!p3 $0x0  }
0xea: {  	s16 =	simm.s32 @!p3 $0x300;
	s17 =	simm.s32 @!p3 $0x7;
	[sflag:s19] =	ssyncadd.s32 @!p3 $0xFFFFC000  }
0xeb: {  	[spmem:s2] =	stream.indirect.scatter.add.f32 @!p3 [tilespmem:s13], [sflag:$0x7], $0x80, s16, s15, $0xb8;
	[tilespmem:$0x1BC80] =	vst v63  }
0xec: {  	_ =	swait.ge @!p3 [sflag:s17], $0x4000  }
0xed: {  	s13 =	rddreg [dreg:$0x7]  }
0xee: {  	p6 =	sge.u32 @!p3 s9, s13  }
0xef: {  	[sflag:s17] =	ssyncset.done @!p3 $0x0;
	p6 =	por p6, p3  }
0xf0: {  	[sflag:s17] =	ssyncadd.s32 @!p3 $0xFFFFC000;
	s13 =	simm.s32 @!p6 $0x3  }
0xf1: {  	_ =	swait.ge @!p6 [sflag:s13], $0x80  }
0xf2: {  	[sflag:s13] =	ssyncset.done @!p6 $0x0  }
0xf3: {  	[sflag:s13] =	ssyncadd.s32 @!p6 $0xFFFFFF80  }
0xf4: {  	p3 =	por p5, p3;
	s15 =	simm.s32 @!p6 $0x400;
	_ =	swait.ge @!p6 [sflag:s13], $0x80  }
0xf5: {  	s16 =	simm.s32 @!p6 $0x0;
	[sflag:s13] =	ssyncset.done @!p6 $0x0;
	s17 =	rddreg [dreg:$0xb]  }
0xf6: {  	s18 =	rddreg [dreg:$0xc];
	[sflag:s13] =	ssyncadd.s32 @!p6 $0xFFFFFF80;
	s13 =	simm.s32 @!p6 $0x80  }
0xf7: {  	[tilespmem:s15], [sflag:$0x1] =	stream.indirect.gather @!p6 [hbm4b:s1+s13], $0x80, s16, s13, $0xb8;
	[tilespmem:$0x1BC80] =	vst v63  }
0xf8: {  	s13 =	sadd.s32 @!p3 s8, s17;
	s15 =	simm.s32 @!p3 $0x0;
	s16 =	simm.s32 @!p3 $0x100  }
0xf9: {  	[tilespmem:s16], [sflag:$0x5] =	stream.linear.gather @!p3 [hbm4b:s13+s15], $0x80, $0x38;
	[tilespmem:$0x1BC80] =	vst v63  }
0xfa: {  	s17 =	simm.s32 @!p2 $0x2;
	s13 =	sadd.s32 @!p3 s8, s18;
	s16 =	simm.s32 @!p3 $0x300  }
0xfb: {  	[tilespmem:s16], [sflag:$0x5] =	stream.linear.gather @!p3 [hbm4b:s13+s15], $0x80, $0x38;
	[tilespmem:$0x1BC80] =	vst v63  }
0xfc: {  	_ =	swait.ge @!p2 [sflag:s17], $0x4000  }
0xfd: {  	[sflag:s17] =	ssyncset.done @!p2 $0x0  }
0xfe: {  	s13 =	simm.s32 @!p2 $0x380;
	s15 =	simm.s32 @!p2 $0x7;
	[sflag:s17] =	ssyncadd.s32 @!p2 $0xFFFFC000  }
0xff: {  	[spmem:s2] =	stream.indirect.scatter.add.f32 @!p2 [tilespmem:s12], [sflag:$0x7], $0x80, s13, s14, $0xb8;
	[tilespmem:$0x1BC80] =	vst v63  }
0x100: {  	_ =	swait.ge @!p2 [sflag:s15], $0x4000  }
0x101: {  	s12 =	rddreg [dreg:$0x8]  }
0x102: {  	p3 =	sge.u32 @!p2 s9, s12  }
0x103: {  	[sflag:s15] =	ssyncset.done @!p2 $0x0;
	p3 =	por p3, p2  }
0x104: {  	[sflag:s15] =	ssyncadd.s32 @!p2 $0xFFFFC000;
	s9 =	simm.s32 @!p3 $0x4  }
0x105: {  	_ =	swait.ge @!p3 [sflag:s9], $0x80  }
0x106: {  	s6 =	sadd.s32 $0x40, s6;
	[sflag:s9] =	ssyncset.done @!p3 $0x0  }
0x107: {  	p1 =	sne.s32 s6, $0x500;
	[sflag:s9] =	ssyncadd.s32 @!p3 $0xFFFFFF80  }
0x108: {  	p2 =	por p4, p2;
	s12 =	simm.s32 @!p3 $0x4400;
	_ =	swait.ge @!p3 [sflag:s9], $0x80  }
0x109: {  	s13 =	simm.s32 @!p3 $0x80;
	[sflag:s9] =	ssyncset.done @!p3 $0x0;
	s14 =	rddreg [dreg:$0x9]  }
.Ltmp1:
0x10a: {  	s15 =	rddreg [dreg:$0xa];
	[sflag:s9] =	ssyncadd.s32 @!p3 $0xFFFFFF80;
	(pc) =	sbr.rel @p1 .LBB2_4-.Ltmp1, $4  }
0x10b: {  	[tilespmem:s12], [sflag:$0x2] =	stream.indirect.gather @!p3 [hbm4b:s1+s13], $0x80, s13, s13, $0xb8;
	[tilespmem:$0x1BC80] =	vst v63  }
0x10c: {  	s9 =	simm.s32 @!p2 $0x0;
	s12 =	sadd.s32 @!p2 s8, s14;
	s13 =	simm.s32 @!p2 $0x180  }
0x10d: {  	[tilespmem:s13], [sflag:$0x6] =	stream.linear.gather @!p2 [hbm4b:s12+s9], $0x80, $0x38;
	[tilespmem:$0x1BC80] =	vst v63  }
0x10e: {  	s8 =	sadd.s32 @!p2 s8, s15;
	s12 =	simm.s32 @!p2 $0x380  }
0x10f: {  	[tilespmem:s12], [sflag:$0x6] =	stream.linear.gather @!p2 [hbm4b:s8+s9], $0x80, $0x38;
	[tilespmem:$0x1BC80] =	vst v63  }
0x110: {  	s6 =	stileid.u32  }
0x111: {  	s6 =	sshll.u32 s6, $0x6;
	[bflag:$0x0] =	sbarrier.arrive $0xFFFF  }
0x112: {  	s7 =	sshrl.u32 s5, $0x3;
	s6 =	sor.u32 $0x1C07, s6;
	s19 =	rddreg [dreg:$0x19]  }
0x113: {  	[hbm:s19], [sflag:s6] =	dma.local [spmem:s7], $0x2700  }
0x114: {  	_ =	swait.ge [sflag:s24], $0x2700  }
0x115: {  	s4 =	sadd.s32 $0x1, s4;
	[sflag:s24] =	ssyncset.done $0x0  }
0x116: {  	p1 =	sne.s32 s4, s22;
	s7 =	sshrl.u32 @!p0 s11, $0x3;
	[sflag:s24] =	ssyncadd.s32 $0xFFFFD900  }
0x117: {  	[hbm:s21], [sflag:s6] =	dma.local @!p0 [spmem:s7], $0x100  }
.Ltmp2:
0x118: {  	_ = 	snop;
	(pc) =	sbr.rel @p1 .LBB2_1-.Ltmp2, $4  }
0x119: {  	s6 =	simm.s32 @!p0 $0x7  }
0x11a: {  	_ =	swait.ge @!p0 [sflag:s6], $0x100  }
0x11b: {  	[sflag:s6] =	ssyncset.done @!p0 $0x0  }
0x11c: {  	[sflag:s6] =	ssyncadd.s32 @!p0 $0xFFFFFF00  }
0x11d: {  	_ =	sfence.sel $0x180000  }
0x11e: {  	[bflag:$0x0] =	sbarrier.arrive $0xFFFF  }
0x11f: {  	_ =	strace $0x90000047  }
0x120: {  	s0 =	stileid.u32;
	[bflag:$0x2] =	sbarrier.arrive $0xFFFF  }
0x121: {  	p0 =	sne.s32 s0, $0x0;
	s0 =	rddreg [dreg:$0x4]  }
0x122: {  	s0 =	sadd.s32 @!p0 $0x100000, s0  }
0x123: {  	[sflag:s0] =	ssyncadd.tile.s32 @!p0 $0x1;
	_ =	shalt  }
.Lfunc_end2:
_tile_overlayer_lowered:
.L_overlay_start_2:
0x124: {  	(tag) =	ssettag $0x2  }
0x125: {  	s0 =	rddreg [dreg:$0x0];
	s2 =	stileid.u32  }
0x126: {  	s1 =	rddreg [dreg:$0x1];
	p0 =	sne.s32 s2, $0x0  }
0x127: {  	s3 =	rddreg [dreg:$0x2];
	[bflag:$0x3] =	sbarrier.arrive $0xFFFF;
	s2 =	simm.s32 @!p0 $0x1C07  }
0x128: {  	[timem:s3], [sflag:s2] =	dma.local @!p0 [hbm:s0], s1  }
0x129: {  	s0 =	simm.s32 @!p0 $0x7  }
0x12a: {  	_ =	swait.ge @!p0 [sflag:s0], s1  }
0x12b: {  	s1 =	ssub.s32 @!p0 $0x0, s1;
	[sflag:s0] =	ssyncset.done @!p0 $0x0  }
0x12c: {  	[sflag:s0] =	ssyncadd.s32 @!p0 s1  }
0x12d: {  	[bflag:$0x3] =	sbarrier.arrive $0xFFFF  }
0x12e: {  	_ =	shalt  }

</sc_bundles>
